<compile_context>
chip_gen: v7x
topology: tpu7x:2x2x1
jax: 0.10.2.dev20260603
libtpu: 0.0.44.dev20260713+nightly
codegen_flags: <defaults>
</compile_context>

<pallas_src>
import functools

import jax
import jax.numpy as jnp
from jax import lax
from jax.experimental import pallas as pl
from jax.experimental.pallas import tpu as pltpu
from jax.experimental.pallas import tpu_sc as plsc

_N = 320000
_D = 128
_S = 10000
_G = 128
_NG = _N // _G
_NC = 2
_NS = 16
_NW = _NC * _NS
_NB = 3
_Z0 = 624
_Z1 = 640


def _sc_segment_partials(data, ids):
    mesh = plsc.VectorSubcoreMesh(core_axis_name="c", subcore_axis_name="s")

    scratch = []
    for _ in range(_NB):
        scratch += [
            pltpu.VMEM((_G,), jnp.int32),
            pltpu.VMEM((_G, _D), jnp.float32),
            pltpu.SemaphoreType.DMA,
            pltpu.SemaphoreType.DMA,
        ]
    scratch.append(pltpu.VMEM_SHARED((_S, _D), jnp.float32))

    @functools.partial(
        pl.kernel,
        out_type=jax.ShapeDtypeStruct((_NC, _S, _D), jnp.float32),
        mesh=mesh,
        scratch_types=scratch,
    )
    def body(data_hbm, ids_hbm, out_hbm, *scr):
        acc_sh = scr[-1]
        bufs = [scr[4 * b: 4 * b + 4] for b in range(_NB)]
        c = lax.axis_index("c")
        s = lax.axis_index("s")
        w = c * _NS + s
        out_base = s * _Z0

        g0 = (w * _NG) // _NW
        g1 = ((w + 1) * _NG) // _NW

        def gather_start(b, g):
            ids_v, rows_v, sem_g, _ = bufs[b]
            pltpu.async_copy(ids_hbm.at[pl.ds(g * _G, _G)], ids_v, sem_g)
            pltpu.async_copy(data_hbm.at[pl.ds(g * _G, _G)], rows_v, sem_g)

        def gather_wait(b):
            ids_v, rows_v, sem_g, _ = bufs[b]
            pltpu.make_async_copy(ids_hbm.at[pl.ds(0, _G)], ids_v,
                                  sem_g).wait()
            pltpu.make_async_copy(data_hbm.at[pl.ds(0, _G)], rows_v,
                                  sem_g).wait()

        def scatter_start(b):
            ids_v, rows_v, _, sem_s = bufs[b]
            pltpu.async_copy(rows_v, acc_sh.at[ids_v], sem_s, add=True)

        def scatter_wait(b):
            ids_v, rows_v, _, sem_s = bufs[b]
            pltpu.make_async_copy(rows_v, acc_sh.at[ids_v], sem_s).wait()

        rows0 = bufs[0][1]
        zvec = jnp.zeros((16,), jnp.float32)

        def zrow(i, carry):
            for k in range(8):
                rows0[i, pl.ds(k * 16, 16)] = zvec
            return carry

        lax.fori_loop(0, _G, zrow, 0)

        @pl.when(s < _NS - 1)
        def _zero_small():
            for j in range(4):
                pltpu.sync_copy(rows0,
                                acc_sh.at[pl.ds(out_base + j * _G, _G)])
            pltpu.sync_copy(rows0.at[pl.ds(0, _Z0 - 4 * _G)],
                            acc_sh.at[pl.ds(out_base + 4 * _G, _Z0 - 4 * _G)])

        @pl.when(s == _NS - 1)
        def _zero_big():
            for j in range(5):
                pltpu.sync_copy(rows0,
                                acc_sh.at[pl.ds(out_base + j * _G, _G)])

        gather_start(0, g0)
        plsc.subcore_barrier()

        def step(k, carry):
            base = g0 + k * _NB
            for b in range(_NB):
                g = base + b
                b2 = (b + 1) % _NB

                @pl.when(g < g1)
                def _half_step(b=b, b2=b2, g=g):
                    gather_wait(b)
                    scatter_start(b)

                    @pl.when(g + 1 < g1)
                    def _refill():
                        @pl.when(g + 1 - _NB >= g0)
                        def _drain_prev():
                            scatter_wait(b2)

                        gather_start(b2, g + 1)

            return carry

        nsteps = (g1 - g0 + _NB - 1) // _NB
        lax.fori_loop(0, nsteps, step, 0)
        for b in range(_NB):
            scatter_wait(b)
        plsc.subcore_barrier()

        @pl.when(s < _NS - 1)
        def _write_small():
            pltpu.sync_copy(acc_sh.at[pl.ds(out_base, _Z0)],
                            out_hbm.at[c, pl.ds(out_base, _Z0)])

        @pl.when(s == _NS - 1)
        def _write_big():
            pltpu.sync_copy(acc_sh.at[pl.ds(out_base, _Z1)],
                            out_hbm.at[c, pl.ds(out_base, _Z1)])

    return body(data, ids)


def _tc_add(a, b):
    def body(a_ref, b_ref, o_ref):
        o_ref[...] = a_ref[...] + b_ref[...]

    blk = 2000
    return pl.pallas_call(
        body,
        out_shape=jax.ShapeDtypeStruct((_S, _D), jnp.float32),
        grid=(_S // blk,),
        in_specs=[pl.BlockSpec((blk, _D), lambda i: (i, 0))] * 2,
        out_specs=pl.BlockSpec((blk, _D), lambda i: (i, 0)),
    )(a, b)


def kernel(data, segment_ids, num_segments):
    ids = segment_ids.astype(jnp.int32)
    partials = _sc_segment_partials(data, ids)
    return _tc_add(partials[0], partials[1])

# --- scband reference (transcript-rebuilt; emitter-appended) ---
"""Pipeline reference for scband-deepset-react-featurizer-83708912599358 (READ-ONLY COPY).

The authoritative reference and input builder live on the scoring server;
editing this copy changes nothing except your own understanding.
"""

import jax, jax.numpy as jnp
import numpy as np

N = 320000
D = 128
S = 10000

def setup_inputs(seed: int = 0) -> dict:
    key = jax.random.key(seed)
    k1, k2 = jax.random.split(key)
    data = jax.random.normal(k1, (N, D), dtype=jnp.float32)
    segment_ids = jnp.sort(jax.random.randint(k2, (N,), 0, S, dtype=jnp.int64))
    return {"data": data, "segment_ids": segment_ids, "num_segments": S}

def reference(data, segment_ids, num_segments):
    # Faithful translation of the aggregation core of DeepsetReactFeaturizer.forward:
    #   rxtants = scatter_sum(rxtants, rxtant_indices.view(-1,1).expand(-1, d), dim=0, dim_size=len(reaction_list))
    # i.e. per-reaction sum of reactant node embeddings (deep-set sum aggregation).
    # The upstream GNN output is modeled by the precomputed `data` embeddings.
    ids = jnp.minimum(segment_ids, num_segments - 1)
    out = jax.ops.segment_sum(data, ids, num_segments=S)
    return out

if __name__ == "__main__":
    import jax
    _d = setup_inputs()
    print(jax.jit(kernel)(*tuple(_d.values())))

</pallas_src>

<mosaic_0001>
#map = affine_map<(d0, d1) -> (0, 0)>
#map1 = affine_map<(d0, d1) -> (0)>
#map2 = affine_map<(d0, d1) -> (0, 0, 0)>
module attributes {stable_mosaic.version = 14 : i64} {
  func.func @body(%arg0: i32, %arg1: i32, %arg2: memref<320000x128xf32, #tpu.memory_space<hbm>>, %arg3: memref<320000xi32, #tpu.memory_space<hbm>>, %arg4: memref<2x10000x128xf32, #tpu.memory_space<hbm>>, %arg5: memref<128xi32, #tpu.memory_space<vmem>>, %arg6: memref<128x128xf32, #tpu.memory_space<vmem>>, %arg7: memref<!tpu.dma_semaphore, #tpu.memory_space<semaphore_mem>>, %arg8: memref<!tpu.dma_semaphore, #tpu.memory_space<semaphore_mem>>, %arg9: memref<128xi32, #tpu.memory_space<vmem>>, %arg10: memref<128x128xf32, #tpu.memory_space<vmem>>, %arg11: memref<!tpu.dma_semaphore, #tpu.memory_space<semaphore_mem>>, %arg12: memref<!tpu.dma_semaphore, #tpu.memory_space<semaphore_mem>>, %arg13: memref<128xi32, #tpu.memory_space<vmem>>, %arg14: memref<128x128xf32, #tpu.memory_space<vmem>>, %arg15: memref<!tpu.dma_semaphore, #tpu.memory_space<semaphore_mem>>, %arg16: memref<!tpu.dma_semaphore, #tpu.memory_space<semaphore_mem>>, %arg17: memref<10000x128xf32, #tpu.memory_space<vmem_shared>>) attributes {dimension_semantics = [#tpu.dimension_semantics<core_parallel>, #tpu.dimension_semantics<subcore_parallel>], iteration_bounds = array<i64: 2, 16>, scalar_prefetch = 0 : i64, scratch_operands = 13 : i64, tpu.core_type = #tpu.core_type<sc_vector_subcore>, window_params = [{transform_indices = #map}, {transform_indices = #map1}, {transform_indices = #map2}]} {
    %mul3A = arith.constant 16 : i32
    %mul3A_0 = arith.muli %arg0, %mul3A : i32
    %add3A = arith.addi %mul3A_0, %arg1 : i32
    %mul3A_1 = arith.constant 624 : i32
    %mul3A_2 = arith.muli %arg1, %mul3A_1 : i32
    %mul3A_3 = arith.constant 2500 : i32
    %mul3A_4 = arith.muli %add3A, %mul3A_3 : i32
    %jit3A = arith.constant 32 : i32
    %div3A = arith.divsi %mul3A_4, %jit3A : i32
    %sign3A = arith.constant 0 : i32
    %sign3A_5 = arith.cmpi sgt, %mul3A_4, %sign3A : i32
    %sign3A_6 = arith.extui %sign3A_5 : i1 to i32
    %sign3A_7 = arith.constant 0 : i32
    %sign3A_8 = arith.cmpi slt, %mul3A_4, %sign3A_7 : i32
    %sign3A_9 = arith.extui %sign3A_8 : i1 to i32
    %sign3A_10 = arith.subi %sign3A_6, %sign3A_9 : i32
    %sign3A_11 = arith.constant 0 : i32
    %sign3A_12 = arith.cmpi sgt, %jit3A, %sign3A_11 : i32
    %sign3A_13 = arith.extui %sign3A_12 : i1 to i32
    %sign3A_14 = arith.constant 0 : i32
    %sign3A_15 = arith.cmpi slt, %jit3A, %sign3A_14 : i32
    %sign3A_16 = arith.extui %sign3A_15 : i1 to i32
    %sign3A_17 = arith.subi %sign3A_13, %sign3A_16 : i32
    %ne3A = arith.cmpi ne, %sign3A_10, %sign3A_17 : i32
    %rem3A = arith.remsi %mul3A_4, %jit3A : i32
    %ne3A_18 = arith.constant 0 : i32
    %ne3A_19 = arith.cmpi ne, %rem3A, %ne3A_18 : i32
    %and3A = arith.andi %ne3A, %ne3A_19 : i1
    %sub3A = arith.constant 1 : i32
    %sub3A_20 = arith.subi %div3A, %sub3A : i32
    %select_n3A = arith.select %and3A, %sub3A_20, %div3A : i32
    %add3A_21 = arith.constant 1 : i32
    %add3A_22 = arith.addi %add3A, %add3A_21 : i32
    %mul3A_23 = arith.constant 2500 : i32
    %mul3A_24 = arith.muli %add3A_22, %mul3A_23 : i32
    %jit3A_25 = arith.constant 32 : i32
    %div3A_26 = arith.divsi %mul3A_24, %jit3A_25 : i32
    %sign3A_27 = arith.constant 0 : i32
    %sign3A_28 = arith.cmpi sgt, %mul3A_24, %sign3A_27 : i32
    %sign3A_29 = arith.extui %sign3A_28 : i1 to i32
    %sign3A_30 = arith.constant 0 : i32
    %sign3A_31 = arith.cmpi slt, %mul3A_24, %sign3A_30 : i32
    %sign3A_32 = arith.extui %sign3A_31 : i1 to i32
    %sign3A_33 = arith.subi %sign3A_29, %sign3A_32 : i32
    %sign3A_34 = arith.constant 0 : i32
    %sign3A_35 = arith.cmpi sgt, %jit3A_25, %sign3A_34 : i32
    %sign3A_36 = arith.extui %sign3A_35 : i1 to i32
    %sign3A_37 = arith.constant 0 : i32
    %sign3A_38 = arith.cmpi slt, %jit3A_25, %sign3A_37 : i32
    %sign3A_39 = arith.extui %sign3A_38 : i1 to i32
    %sign3A_40 = arith.subi %sign3A_36, %sign3A_39 : i32
    %ne3A_41 = arith.cmpi ne, %sign3A_33, %sign3A_40 : i32
    %rem3A_42 = arith.remsi %mul3A_24, %jit3A_25 : i32
    %ne3A_43 = arith.constant 0 : i32
    %ne3A_44 = arith.cmpi ne, %rem3A_42, %ne3A_43 : i32
    %and3A_45 = arith.andi %ne3A_41, %ne3A_44 : i1
    %sub3A_46 = arith.constant 1 : i32
    %sub3A_47 = arith.subi %div3A_26, %sub3A_46 : i32
    %select_n3A_48 = arith.select %and3A_45, %sub3A_47, %div3A_26 : i32
    %broadcast_in_dim3A = arith.constant 0.000000e+00 : f32
    %broadcast_in_dim3A_49 = vector.broadcast %broadcast_in_dim3A : f32 to vector<16xf32>
    %scan3A = arith.constant 0 : i32
    %scan3A_50 = arith.constant 0 : i32
    %scan3A_51 = arith.constant 128 : i32
    %scan3A_52 = arith.addi %scan3A_50, %scan3A_51 : i32
    %scan3A_53 = arith.constant 1 : i32
    scf.for %scan3A_127 = %scan3A_50 to %scan3A_52 step %scan3A_53  : i32 {
      %swap3A = arith.index_cast %scan3A_127 : i32 to index
      %swap3A_128 = arith.constant 0 : index
      %swap3A_129 = tpu.vector_load %arg6[%swap3A, %swap3A_128] {strides = array<i32>} : memref<128x128xf32, #tpu.memory_space<vmem>>, vector<1x16xf32>,
      %swap3A_130 = vector.shape_cast %swap3A_129 : vector<1x16xf32> to vector<16xf32>
      %swap3A_131 = vector.shape_cast %broadcast_in_dim3A_49 : vector<16xf32> to vector<1x16xf32>
      tpu.vector_store %arg6[%swap3A, %swap3A_128], %swap3A_131 {strides = array<i32>} : memref<128x128xf32, #tpu.memory_space<vmem>>, vector<1x16xf32>,
      %swap3A_132 = arith.index_cast %scan3A_127 : i32 to index
      %swap3A_133 = arith.constant 16 : index
      %swap3A_134 = tpu.vector_load %arg6[%swap3A_132, %swap3A_133] {strides = array<i32>} : memref<128x128xf32, #tpu.memory_space<vmem>>, vector<1x16xf32>,
      %swap3A_135 = vector.shape_cast %swap3A_134 : vector<1x16xf32> to vector<16xf32>
      %swap3A_136 = vector.shape_cast %broadcast_in_dim3A_49 : vector<16xf32> to vector<1x16xf32>
      tpu.vector_store %arg6[%swap3A_132, %swap3A_133], %swap3A_136 {strides = array<i32>} : memref<128x128xf32, #tpu.memory_space<vmem>>, vector<1x16xf32>,
      %swap3A_137 = arith.index_cast %scan3A_127 : i32 to index
      %swap3A_138 = arith.constant 32 : index
      %swap3A_139 = tpu.vector_load %arg6[%swap3A_137, %swap3A_138] {strides = array<i32>} : memref<128x128xf32, #tpu.memory_space<vmem>>, vector<1x16xf32>,
      %swap3A_140 = vector.shape_cast %swap3A_139 : vector<1x16xf32> to vector<16xf32>
      %swap3A_141 = vector.shape_cast %broadcast_in_dim3A_49 : vector<16xf32> to vector<1x16xf32>
      tpu.vector_store %arg6[%swap3A_137, %swap3A_138], %swap3A_141 {strides = array<i32>} : memref<128x128xf32, #tpu.memory_space<vmem>>, vector<1x16xf32>,
      %swap3A_142 = arith.index_cast %scan3A_127 : i32 to index
      %swap3A_143 = arith.constant 48 : index
      %swap3A_144 = tpu.vector_load %arg6[%swap3A_142, %swap3A_143] {strides = array<i32>} : memref<128x128xf32, #tpu.memory_space<vmem>>, vector<1x16xf32>,
      %swap3A_145 = vector.shape_cast %swap3A_144 : vector<1x16xf32> to vector<16xf32>
      %swap3A_146 = vector.shape_cast %broadcast_in_dim3A_49 : vector<16xf32> to vector<1x16xf32>
      tpu.vector_store %arg6[%swap3A_142, %swap3A_143], %swap3A_146 {strides = array<i32>} : memref<128x128xf32, #tpu.memory_space<vmem>>, vector<1x16xf32>,
      %swap3A_147 = arith.index_cast %scan3A_127 : i32 to index
      %swap3A_148 = arith.constant 64 : index
      %swap3A_149 = tpu.vector_load %arg6[%swap3A_147, %swap3A_148] {strides = array<i32>} : memref<128x128xf32, #tpu.memory_space<vmem>>, vector<1x16xf32>,
      %swap3A_150 = vector.shape_cast %swap3A_149 : vector<1x16xf32> to vector<16xf32>
      %swap3A_151 = vector.shape_cast %broadcast_in_dim3A_49 : vector<16xf32> to vector<1x16xf32>
      tpu.vector_store %arg6[%swap3A_147, %swap3A_148], %swap3A_151 {strides = array<i32>} : memref<128x128xf32, #tpu.memory_space<vmem>>, vector<1x16xf32>,
      %swap3A_152 = arith.index_cast %scan3A_127 : i32 to index
      %swap3A_153 = arith.constant 80 : index
      %swap3A_154 = tpu.vector_load %arg6[%swap3A_152, %swap3A_153] {strides = array<i32>} : memref<128x128xf32, #tpu.memory_space<vmem>>, vector<1x16xf32>,
      %swap3A_155 = vector.shape_cast %swap3A_154 : vector<1x16xf32> to vector<16xf32>
      %swap3A_156 = vector.shape_cast %broadcast_in_dim3A_49 : vector<16xf32> to vector<1x16xf32>
      tpu.vector_store %arg6[%swap3A_152, %swap3A_153], %swap3A_156 {strides = array<i32>} : memref<128x128xf32, #tpu.memory_space<vmem>>, vector<1x16xf32>,
      %swap3A_157 = arith.index_cast %scan3A_127 : i32 to index
      %swap3A_158 = arith.constant 96 : index
      %swap3A_159 = tpu.vector_load %arg6[%swap3A_157, %swap3A_158] {strides = array<i32>} : memref<128x128xf32, #tpu.memory_space<vmem>>, vector<1x16xf32>,
      %swap3A_160 = vector.shape_cast %swap3A_159 : vector<1x16xf32> to vector<16xf32>
      %swap3A_161 = vector.shape_cast %broadcast_in_dim3A_49 : vector<16xf32> to vector<1x16xf32>
      tpu.vector_store %arg6[%swap3A_157, %swap3A_158], %swap3A_161 {strides = array<i32>} : memref<128x128xf32, #tpu.memory_space<vmem>>, vector<1x16xf32>,
      %swap3A_162 = arith.index_cast %scan3A_127 : i32 to index
      %swap3A_163 = arith.constant 112 : index
      %swap3A_164 = tpu.vector_load %arg6[%swap3A_162, %swap3A_163] {strides = array<i32>} : memref<128x128xf32, #tpu.memory_space<vmem>>, vector<1x16xf32>,
      %swap3A_165 = vector.shape_cast %swap3A_164 : vector<1x16xf32> to vector<16xf32>
      %swap3A_166 = vector.shape_cast %broadcast_in_dim3A_49 : vector<16xf32> to vector<1x16xf32>
      tpu.vector_store %arg6[%swap3A_162, %swap3A_163], %swap3A_166 {strides = array<i32>} : memref<128x128xf32, #tpu.memory_space<vmem>>, vector<1x16xf32>,
    }
    %scan3A_54 = arith.constant 128 : i32
    %lt3A = arith.constant 15 : i32
    %lt3A_55 = arith.cmpi slt, %arg1, %lt3A : i32
    %convert_element_type3A = arith.extui %lt3A_55 : i1 to i32
    %cond3A = arith.constant 0 : i32
    %cond3A_56 = arith.cmpi ne, %convert_element_type3A, %cond3A : i32
    scf.if %cond3A_56 {
      %add3A_127 = arith.constant 0 : i32
      %add3A_128 = arith.addi %mul3A_2, %add3A_127 : i32
      "tpu.region"() ({
        %run_scoped3A = tpu.sem_alloc : memref<!tpu.dma_semaphore, #tpu.memory_space<semaphore_mem>>
        %dma_start3A_137 = arith.constant 0 : i32
        %dma_start3A_138 = tpu.memref_slice %arg17[%add3A_128, %dma_start3A_137] : memref<10000x128xf32, #tpu.memory_space<vmem_shared>> -> memref<128x128xf32, #tpu.memory_space<vmem_shared>>
        %dma_start3A_139 = arith.constant 0 : i32
        %dma_start3A_140 = tpu.memref_slice %arg17[%add3A_128, %dma_start3A_139] : memref<10000x128xf32, #tpu.memory_space<vmem_shared>> -> memref<128x128xf32, #tpu.memory_space<vmem_shared>>
        tpu.enqueue_dma source(%arg6 : memref<128x128xf32, #tpu.memory_space<vmem>>) target(%dma_start3A_140 : memref<128x128xf32, #tpu.memory_space<vmem_shared>>) target_semaphore(%run_scoped3A : memref<!tpu.dma_semaphore, #tpu.memory_space<semaphore_mem>>)
        %dma_wait3A_141 = arith.constant 0 : i32
        %dma_wait3A_142 = tpu.memref_slice %arg17[%add3A_128, %dma_wait3A_141] : memref<10000x128xf32, #tpu.memory_space<vmem_shared>> -> memref<128x128xf32, #tpu.memory_space<vmem_shared>>
        %dma_wait3A_143 = arith.constant 0 : i32
        %dma_wait3A_144 = tpu.memref_slice %arg17[%add3A_128, %dma_wait3A_143] : memref<10000x128xf32, #tpu.memory_space<vmem_shared>> -> memref<128x128xf32, #tpu.memory_space<vmem_shared>>
        tpu.wait_dma2 semaphore(%run_scoped3A : memref<!tpu.dma_semaphore, #tpu.memory_space<semaphore_mem>>) src(%arg6 : memref<128x128xf32, #tpu.memory_space<vmem>>) dst(%dma_wait3A_144 : memref<128x128xf32, #tpu.memory_space<vmem_shared>>)
        tpu.yield
      }) : () -> ()
      %add3A_129 = arith.constant 128 : i32
      %add3A_130 = arith.addi %mul3A_2, %add3A_129 : i32
      "tpu.region"() ({
        %run_scoped3A = tpu.sem_alloc : memref<!tpu.dma_semaphore, #tpu.memory_space<semaphore_mem>>
        %dma_start3A_137 = arith.constant 0 : i32
        %dma_start3A_138 = tpu.memref_slice %arg17[%add3A_130, %dma_start3A_137] : memref<10000x128xf32, #tpu.memory_space<vmem_shared>> -> memref<128x128xf32, #tpu.memory_space<vmem_shared>>
        %dma_start3A_139 = arith.constant 0 : i32
        %dma_start3A_140 = tpu.memref_slice %arg17[%add3A_130, %dma_start3A_139] : memref<10000x128xf32, #tpu.memory_space<vmem_shared>> -> memref<128x128xf32, #tpu.memory_space<vmem_shared>>
        tpu.enqueue_dma source(%arg6 : memref<128x128xf32, #tpu.memory_space<vmem>>) target(%dma_start3A_140 : memref<128x128xf32, #tpu.memory_space<vmem_shared>>) target_semaphore(%run_scoped3A : memref<!tpu.dma_semaphore, #tpu.memory_space<semaphore_mem>>)
        %dma_wait3A_141 = arith.constant 0 : i32
        %dma_wait3A_142 = tpu.memref_slice %arg17[%add3A_130, %dma_wait3A_141] : memref<10000x128xf32, #tpu.memory_space<vmem_shared>> -> memref<128x128xf32, #tpu.memory_space<vmem_shared>>
        %dma_wait3A_143 = arith.constant 0 : i32
        %dma_wait3A_144 = tpu.memref_slice %arg17[%add3A_130, %dma_wait3A_143] : memref<10000x128xf32, #tpu.memory_space<vmem_shared>> -> memref<128x128xf32, #tpu.memory_space<vmem_shared>>
        tpu.wait_dma2 semaphore(%run_scoped3A : memref<!tpu.dma_semaphore, #tpu.memory_space<semaphore_mem>>) src(%arg6 : memref<128x128xf32, #tpu.memory_space<vmem>>) dst(%dma_wait3A_144 : memref<128x128xf32, #tpu.memory_space<vmem_shared>>)
        tpu.yield
      }) : () -> ()
      %add3A_131 = arith.constant 256 : i32
      %add3A_132 = arith.addi %mul3A_2, %add3A_131 : i32
      "tpu.region"() ({
        %run_scoped3A = tpu.sem_alloc : memref<!tpu.dma_semaphore, #tpu.memory_space<semaphore_mem>>
        %dma_start3A_137 = arith.constant 0 : i32
        %dma_start3A_138 = tpu.memref_slice %arg17[%add3A_132, %dma_start3A_137] : memref<10000x128xf32, #tpu.memory_space<vmem_shared>> -> memref<128x128xf32, #tpu.memory_space<vmem_shared>>
        %dma_start3A_139 = arith.constant 0 : i32
        %dma_start3A_140 = tpu.memref_slice %arg17[%add3A_132, %dma_start3A_139] : memref<10000x128xf32, #tpu.memory_space<vmem_shared>> -> memref<128x128xf32, #tpu.memory_space<vmem_shared>>
        tpu.enqueue_dma source(%arg6 : memref<128x128xf32, #tpu.memory_space<vmem>>) target(%dma_start3A_140 : memref<128x128xf32, #tpu.memory_space<vmem_shared>>) target_semaphore(%run_scoped3A : memref<!tpu.dma_semaphore, #tpu.memory_space<semaphore_mem>>)
        %dma_wait3A_141 = arith.constant 0 : i32
        %dma_wait3A_142 = tpu.memref_slice %arg17[%add3A_132, %dma_wait3A_141] : memref<10000x128xf32, #tpu.memory_space<vmem_shared>> -> memref<128x128xf32, #tpu.memory_space<vmem_shared>>
        %dma_wait3A_143 = arith.constant 0 : i32
        %dma_wait3A_144 = tpu.memref_slice %arg17[%add3A_132, %dma_wait3A_143] : memref<10000x128xf32, #tpu.memory_space<vmem_shared>> -> memref<128x128xf32, #tpu.memory_space<vmem_shared>>
        tpu.wait_dma2 semaphore(%run_scoped3A : memref<!tpu.dma_semaphore, #tpu.memory_space<semaphore_mem>>) src(%arg6 : memref<128x128xf32, #tpu.memory_space<vmem>>) dst(%dma_wait3A_144 : memref<128x128xf32, #tpu.memory_space<vmem_shared>>)
        tpu.yield
      }) : () -> ()
      %add3A_133 = arith.constant 384 : i32
      %add3A_134 = arith.addi %mul3A_2, %add3A_133 : i32
      "tpu.region"() ({
        %run_scoped3A = tpu.sem_alloc : memref<!tpu.dma_semaphore, #tpu.memory_space<semaphore_mem>>
        %dma_start3A_137 = arith.constant 0 : i32
        %dma_start3A_138 = tpu.memref_slice %arg17[%add3A_134, %dma_start3A_137] : memref<10000x128xf32, #tpu.memory_space<vmem_shared>> -> memref<128x128xf32, #tpu.memory_space<vmem_shared>>
        %dma_start3A_139 = arith.constant 0 : i32
        %dma_start3A_140 = tpu.memref_slice %arg17[%add3A_134, %dma_start3A_139] : memref<10000x128xf32, #tpu.memory_space<vmem_shared>> -> memref<128x128xf32, #tpu.memory_space<vmem_shared>>
        tpu.enqueue_dma source(%arg6 : memref<128x128xf32, #tpu.memory_space<vmem>>) target(%dma_start3A_140 : memref<128x128xf32, #tpu.memory_space<vmem_shared>>) target_semaphore(%run_scoped3A : memref<!tpu.dma_semaphore, #tpu.memory_space<semaphore_mem>>)
        %dma_wait3A_141 = arith.constant 0 : i32
        %dma_wait3A_142 = tpu.memref_slice %arg17[%add3A_134, %dma_wait3A_141] : memref<10000x128xf32, #tpu.memory_space<vmem_shared>> -> memref<128x128xf32, #tpu.memory_space<vmem_shared>>
        %dma_wait3A_143 = arith.constant 0 : i32
        %dma_wait3A_144 = tpu.memref_slice %arg17[%add3A_134, %dma_wait3A_143] : memref<10000x128xf32, #tpu.memory_space<vmem_shared>> -> memref<128x128xf32, #tpu.memory_space<vmem_shared>>
        tpu.wait_dma2 semaphore(%run_scoped3A : memref<!tpu.dma_semaphore, #tpu.memory_space<semaphore_mem>>) src(%arg6 : memref<128x128xf32, #tpu.memory_space<vmem>>) dst(%dma_wait3A_144 : memref<128x128xf32, #tpu.memory_space<vmem_shared>>)
        tpu.yield
      }) : () -> ()
      %add3A_135 = arith.constant 512 : i32
      %add3A_136 = arith.addi %mul3A_2, %add3A_135 : i32
      "tpu.region"() ({
        %run_scoped3A = tpu.sem_alloc : memref<!tpu.dma_semaphore, #tpu.memory_space<semaphore_mem>>
        %dma_start3A_137 = arith.constant 0 : i32
        %dma_start3A_138 = arith.constant 0 : i32
        %dma_start3A_139 = tpu.memref_slice %arg6[%dma_start3A_137, %dma_start3A_138] : memref<128x128xf32, #tpu.memory_space<vmem>> -> memref<112x128xf32, #tpu.memory_space<vmem>>
        %dma_start3A_140 = arith.constant 0 : i32
        %dma_start3A_141 = tpu.memref_slice %arg17[%add3A_136, %dma_start3A_140] : memref<10000x128xf32, #tpu.memory_space<vmem_shared>> -> memref<112x128xf32, #tpu.memory_space<vmem_shared>>
        %dma_start3A_142 = arith.constant 0 : i32
        %dma_start3A_143 = tpu.memref_slice %arg17[%add3A_136, %dma_start3A_142] : memref<10000x128xf32, #tpu.memory_space<vmem_shared>> -> memref<112x128xf32, #tpu.memory_space<vmem_shared>>
        %dma_start3A_144 = arith.constant 0 : i32
        %dma_start3A_145 = arith.constant 0 : i32
        %dma_start3A_146 = tpu.memref_slice %arg6[%dma_start3A_144, %dma_start3A_145] : memref<128x128xf32, #tpu.memory_space<vmem>> -> memref<112x128xf32, #tpu.memory_space<vmem>>
        tpu.enqueue_dma source(%dma_start3A_146 : memref<112x128xf32, #tpu.memory_space<vmem>>) target(%dma_start3A_143 : memref<112x128xf32, #tpu.memory_space<vmem_shared>>) target_semaphore(%run_scoped3A : memref<!tpu.dma_semaphore, #tpu.memory_space<semaphore_mem>>)
        %dma_wait3A_147 = arith.constant 0 : i32
        %dma_wait3A_148 = arith.constant 0 : i32
        %dma_wait3A_149 = tpu.memref_slice %arg6[%dma_wait3A_147, %dma_wait3A_148] : memref<128x128xf32, #tpu.memory_space<vmem>> -> memref<112x128xf32, #tpu.memory_space<vmem>>
        %dma_wait3A_150 = arith.constant 0 : i32
        %dma_wait3A_151 = tpu.memref_slice %arg17[%add3A_136, %dma_wait3A_150] : memref<10000x128xf32, #tpu.memory_space<vmem_shared>> -> memref<112x128xf32, #tpu.memory_space<vmem_shared>>
        %dma_wait3A_152 = arith.constant 0 : i32
        %dma_wait3A_153 = tpu.memref_slice %arg17[%add3A_136, %dma_wait3A_152] : memref<10000x128xf32, #tpu.memory_space<vmem_shared>> -> memref<112x128xf32, #tpu.memory_space<vmem_shared>>
        %dma_wait3A_154 = arith.constant 0 : i32
        %dma_wait3A_155 = arith.constant 0 : i32
        %dma_wait3A_156 = tpu.memref_slice %arg6[%dma_wait3A_154, %dma_wait3A_155] : memref<128x128xf32, #tpu.memory_space<vmem>> -> memref<112x128xf32, #tpu.memory_space<vmem>>
        tpu.wait_dma2 semaphore(%run_scoped3A : memref<!tpu.dma_semaphore, #tpu.memory_space<semaphore_mem>>) src(%dma_wait3A_156 : memref<112x128xf32, #tpu.memory_space<vmem>>) dst(%dma_wait3A_153 : memref<112x128xf32, #tpu.memory_space<vmem_shared>>)
        tpu.yield
      }) : () -> ()
    } else {
    }
    %eq3A = arith.constant 15 : i32
    %eq3A_57 = arith.cmpi eq, %arg1, %eq3A : i32
    %convert_element_type3A_58 = arith.extui %eq3A_57 : i1 to i32
    %cond3A_59 = arith.constant 0 : i32
    %cond3A_60 = arith.cmpi ne, %convert_element_type3A_58, %cond3A_59 : i32
    scf.if %cond3A_60 {
      %add3A_127 = arith.constant 0 : i32
      %add3A_128 = arith.addi %mul3A_2, %add3A_127 : i32
      "tpu.region"() ({
        %run_scoped3A = tpu.sem_alloc : memref<!tpu.dma_semaphore, #tpu.memory_space<semaphore_mem>>
        %dma_start3A_137 = arith.constant 0 : i32
        %dma_start3A_138 = tpu.memref_slice %arg17[%add3A_128, %dma_start3A_137] : memref<10000x128xf32, #tpu.memory_space<vmem_shared>> -> memref<128x128xf32, #tpu.memory_space<vmem_shared>>
        %dma_start3A_139 = arith.constant 0 : i32
        %dma_start3A_140 = tpu.memref_slice %arg17[%add3A_128, %dma_start3A_139] : memref<10000x128xf32, #tpu.memory_space<vmem_shared>> -> memref<128x128xf32, #tpu.memory_space<vmem_shared>>
        tpu.enqueue_dma source(%arg6 : memref<128x128xf32, #tpu.memory_space<vmem>>) target(%dma_start3A_140 : memref<128x128xf32, #tpu.memory_space<vmem_shared>>) target_semaphore(%run_scoped3A : memref<!tpu.dma_semaphore, #tpu.memory_space<semaphore_mem>>)
        %dma_wait3A_141 = arith.constant 0 : i32
        %dma_wait3A_142 = tpu.memref_slice %arg17[%add3A_128, %dma_wait3A_141] : memref<10000x128xf32, #tpu.memory_space<vmem_shared>> -> memref<128x128xf32, #tpu.memory_space<vmem_shared>>
        %dma_wait3A_143 = arith.constant 0 : i32
        %dma_wait3A_144 = tpu.memref_slice %arg17[%add3A_128, %dma_wait3A_143] : memref<10000x128xf32, #tpu.memory_space<vmem_shared>> -> memref<128x128xf32, #tpu.memory_space<vmem_shared>>
        tpu.wait_dma2 semaphore(%run_scoped3A : memref<!tpu.dma_semaphore, #tpu.memory_space<semaphore_mem>>) src(%arg6 : memref<128x128xf32, #tpu.memory_space<vmem>>) dst(%dma_wait3A_144 : memref<128x128xf32, #tpu.memory_space<vmem_shared>>)
        tpu.yield
      }) : () -> ()
      %add3A_129 = arith.constant 128 : i32
      %add3A_130 = arith.addi %mul3A_2, %add3A_129 : i32
      "tpu.region"() ({
        %run_scoped3A = tpu.sem_alloc : memref<!tpu.dma_semaphore, #tpu.memory_space<semaphore_mem>>
        %dma_start3A_137 = arith.constant 0 : i32
        %dma_start3A_138 = tpu.memref_slice %arg17[%add3A_130, %dma_start3A_137] : memref<10000x128xf32, #tpu.memory_space<vmem_shared>> -> memref<128x128xf32, #tpu.memory_space<vmem_shared>>
        %dma_start3A_139 = arith.constant 0 : i32
        %dma_start3A_140 = tpu.memref_slice %arg17[%add3A_130, %dma_start3A_139] : memref<10000x128xf32, #tpu.memory_space<vmem_shared>> -> memref<128x128xf32, #tpu.memory_space<vmem_shared>>
        tpu.enqueue_dma source(%arg6 : memref<128x128xf32, #tpu.memory_space<vmem>>) target(%dma_start3A_140 : memref<128x128xf32, #tpu.memory_space<vmem_shared>>) target_semaphore(%run_scoped3A : memref<!tpu.dma_semaphore, #tpu.memory_space<semaphore_mem>>)
        %dma_wait3A_141 = arith.constant 0 : i32
        %dma_wait3A_142 = tpu.memref_slice %arg17[%add3A_130, %dma_wait3A_141] : memref<10000x128xf32, #tpu.memory_space<vmem_shared>> -> memref<128x128xf32, #tpu.memory_space<vmem_shared>>
        %dma_wait3A_143 = arith.constant 0 : i32
        %dma_wait3A_144 = tpu.memref_slice %arg17[%add3A_130, %dma_wait3A_143] : memref<10000x128xf32, #tpu.memory_space<vmem_shared>> -> memref<128x128xf32, #tpu.memory_space<vmem_shared>>
        tpu.wait_dma2 semaphore(%run_scoped3A : memref<!tpu.dma_semaphore, #tpu.memory_space<semaphore_mem>>) src(%arg6 : memref<128x128xf32, #tpu.memory_space<vmem>>) dst(%dma_wait3A_144 : memref<128x128xf32, #tpu.memory_space<vmem_shared>>)
        tpu.yield
      }) : () -> ()
      %add3A_131 = arith.constant 256 : i32
      %add3A_132 = arith.addi %mul3A_2, %add3A_131 : i32
      "tpu.region"() ({
        %run_scoped3A = tpu.sem_alloc : memref<!tpu.dma_semaphore, #tpu.memory_space<semaphore_mem>>
        %dma_start3A_137 = arith.constant 0 : i32
        %dma_start3A_138 = tpu.memref_slice %arg17[%add3A_132, %dma_start3A_137] : memref<10000x128xf32, #tpu.memory_space<vmem_shared>> -> memref<128x128xf32, #tpu.memory_space<vmem_shared>>
        %dma_start3A_139 = arith.constant 0 : i32
        %dma_start3A_140 = tpu.memref_slice %arg17[%add3A_132, %dma_start3A_139] : memref<10000x128xf32, #tpu.memory_space<vmem_shared>> -> memref<128x128xf32, #tpu.memory_space<vmem_shared>>
        tpu.enqueue_dma source(%arg6 : memref<128x128xf32, #tpu.memory_space<vmem>>) target(%dma_start3A_140 : memref<128x128xf32, #tpu.memory_space<vmem_shared>>) target_semaphore(%run_scoped3A : memref<!tpu.dma_semaphore, #tpu.memory_space<semaphore_mem>>)
        %dma_wait3A_141 = arith.constant 0 : i32
        %dma_wait3A_142 = tpu.memref_slice %arg17[%add3A_132, %dma_wait3A_141] : memref<10000x128xf32, #tpu.memory_space<vmem_shared>> -> memref<128x128xf32, #tpu.memory_space<vmem_shared>>
        %dma_wait3A_143 = arith.constant 0 : i32
        %dma_wait3A_144 = tpu.memref_slice %arg17[%add3A_132, %dma_wait3A_143] : memref<10000x128xf32, #tpu.memory_space<vmem_shared>> -> memref<128x128xf32, #tpu.memory_space<vmem_shared>>
        tpu.wait_dma2 semaphore(%run_scoped3A : memref<!tpu.dma_semaphore, #tpu.memory_space<semaphore_mem>>) src(%arg6 : memref<128x128xf32, #tpu.memory_space<vmem>>) dst(%dma_wait3A_144 : memref<128x128xf32, #tpu.memory_space<vmem_shared>>)
        tpu.yield
      }) : () -> ()
      %add3A_133 = arith.constant 384 : i32
      %add3A_134 = arith.addi %mul3A_2, %add3A_133 : i32
      "tpu.region"() ({
        %run_scoped3A = tpu.sem_alloc : memref<!tpu.dma_semaphore, #tpu.memory_space<semaphore_mem>>
        %dma_start3A_137 = arith.constant 0 : i32
        %dma_start3A_138 = tpu.memref_slice %arg17[%add3A_134, %dma_start3A_137] : memref<10000x128xf32, #tpu.memory_space<vmem_shared>> -> memref<128x128xf32, #tpu.memory_space<vmem_shared>>
        %dma_start3A_139 = arith.constant 0 : i32
        %dma_start3A_140 = tpu.memref_slice %arg17[%add3A_134, %dma_start3A_139] : memref<10000x128xf32, #tpu.memory_space<vmem_shared>> -> memref<128x128xf32, #tpu.memory_space<vmem_shared>>
        tpu.enqueue_dma source(%arg6 : memref<128x128xf32, #tpu.memory_space<vmem>>) target(%dma_start3A_140 : memref<128x128xf32, #tpu.memory_space<vmem_shared>>) target_semaphore(%run_scoped3A : memref<!tpu.dma_semaphore, #tpu.memory_space<semaphore_mem>>)
        %dma_wait3A_141 = arith.constant 0 : i32
        %dma_wait3A_142 = tpu.memref_slice %arg17[%add3A_134, %dma_wait3A_141] : memref<10000x128xf32, #tpu.memory_space<vmem_shared>> -> memref<128x128xf32, #tpu.memory_space<vmem_shared>>
        %dma_wait3A_143 = arith.constant 0 : i32
        %dma_wait3A_144 = tpu.memref_slice %arg17[%add3A_134, %dma_wait3A_143] : memref<10000x128xf32, #tpu.memory_space<vmem_shared>> -> memref<128x128xf32, #tpu.memory_space<vmem_shared>>
        tpu.wait_dma2 semaphore(%run_scoped3A : memref<!tpu.dma_semaphore, #tpu.memory_space<semaphore_mem>>) src(%arg6 : memref<128x128xf32, #tpu.memory_space<vmem>>) dst(%dma_wait3A_144 : memref<128x128xf32, #tpu.memory_space<vmem_shared>>)
        tpu.yield
      }) : () -> ()
      %add3A_135 = arith.constant 512 : i32
      %add3A_136 = arith.addi %mul3A_2, %add3A_135 : i32
      "tpu.region"() ({
        %run_scoped3A = tpu.sem_alloc : memref<!tpu.dma_semaphore, #tpu.memory_space<semaphore_mem>>
        %dma_start3A_137 = arith.constant 0 : i32
        %dma_start3A_138 = tpu.memref_slice %arg17[%add3A_136, %dma_start3A_137] : memref<10000x128xf32, #tpu.memory_space<vmem_shared>> -> memref<128x128xf32, #tpu.memory_space<vmem_shared>>
        %dma_start3A_139 = arith.constant 0 : i32
        %dma_start3A_140 = tpu.memref_slice %arg17[%add3A_136, %dma_start3A_139] : memref<10000x128xf32, #tpu.memory_space<vmem_shared>> -> memref<128x128xf32, #tpu.memory_space<vmem_shared>>
        tpu.enqueue_dma source(%arg6 : memref<128x128xf32, #tpu.memory_space<vmem>>) target(%dma_start3A_140 : memref<128x128xf32, #tpu.memory_space<vmem_shared>>) target_semaphore(%run_scoped3A : memref<!tpu.dma_semaphore, #tpu.memory_space<semaphore_mem>>)
        %dma_wait3A_141 = arith.constant 0 : i32
        %dma_wait3A_142 = tpu.memref_slice %arg17[%add3A_136, %dma_wait3A_141] : memref<10000x128xf32, #tpu.memory_space<vmem_shared>> -> memref<128x128xf32, #tpu.memory_space<vmem_shared>>
        %dma_wait3A_143 = arith.constant 0 : i32
        %dma_wait3A_144 = tpu.memref_slice %arg17[%add3A_136, %dma_wait3A_143] : memref<10000x128xf32, #tpu.memory_space<vmem_shared>> -> memref<128x128xf32, #tpu.memory_space<vmem_shared>>
        tpu.wait_dma2 semaphore(%run_scoped3A : memref<!tpu.dma_semaphore, #tpu.memory_space<semaphore_mem>>) src(%arg6 : memref<128x128xf32, #tpu.memory_space<vmem>>) dst(%dma_wait3A_144 : memref<128x128xf32, #tpu.memory_space<vmem_shared>>)
        tpu.yield
      }) : () -> ()
    } else {
    }
    %mul3A_61 = arith.constant 128 : i32
    %mul3A_62 = arith.muli %select_n3A, %mul3A_61 : i32
    %dma_start3A = tpu.memref_slice %arg3[%mul3A_62] : memref<320000xi32, #tpu.memory_space<hbm>> -> memref<128xi32, #tpu.memory_space<hbm>>
    %dma_start3A_63 = tpu.memref_slice %arg3[%mul3A_62] : memref<320000xi32, #tpu.memory_space<hbm>> -> memref<128xi32, #tpu.memory_space<hbm>>
    tpu.enqueue_dma source(%dma_start3A_63 : memref<128xi32, #tpu.memory_space<hbm>>) target(%arg5 : memref<128xi32, #tpu.memory_space<vmem>>) target_semaphore(%arg7 : memref<!tpu.dma_semaphore, #tpu.memory_space<semaphore_mem>>)
    %mul3A_64 = arith.constant 128 : i32
    %mul3A_65 = arith.muli %select_n3A, %mul3A_64 : i32
    %dma_start3A_66 = arith.constant 0 : i32
    %dma_start3A_67 = tpu.memref_slice %arg2[%mul3A_65, %dma_start3A_66] : memref<320000x128xf32, #tpu.memory_space<hbm>> -> memref<128x128xf32, #tpu.memory_space<hbm>>
    %dma_start3A_68 = arith.constant 0 : i32
    %dma_start3A_69 = tpu.memref_slice %arg2[%mul3A_65, %dma_start3A_68] : memref<320000x128xf32, #tpu.memory_space<hbm>> -> memref<128x128xf32, #tpu.memory_space<hbm>>
    tpu.enqueue_dma source(%dma_start3A_69 : memref<128x128xf32, #tpu.memory_space<hbm>>) target(%arg6 : memref<128x128xf32, #tpu.memory_space<vmem>>) target_semaphore(%arg7 : memref<!tpu.dma_semaphore, #tpu.memory_space<semaphore_mem>>)
    %barrier3A = arith.constant 0 : index
    tpu.barrier barrier_id(%barrier3A)
    %sub3A_70 = arith.subi %select_n3A_48, %select_n3A : i32
    %add3A_71 = arith.constant 3 : i32
    %add3A_72 = arith.addi %sub3A_70, %add3A_71 : i32
    %sub3A_73 = arith.constant 1 : i32
    %sub3A_74 = arith.subi %add3A_72, %sub3A_73 : i32
    %jit3A_75 = arith.constant 3 : i32
    %div3A_76 = arith.divsi %sub3A_74, %jit3A_75 : i32
    %sign3A_77 = arith.constant 0 : i32
    %sign3A_78 = arith.cmpi sgt, %sub3A_74, %sign3A_77 : i32
    %sign3A_79 = arith.extui %sign3A_78 : i1 to i32
    %sign3A_80 = arith.constant 0 : i32
    %sign3A_81 = arith.cmpi slt, %sub3A_74, %sign3A_80 : i32
    %sign3A_82 = arith.extui %sign3A_81 : i1 to i32
    %sign3A_83 = arith.subi %sign3A_79, %sign3A_82 : i32
    %sign3A_84 = arith.constant 0 : i32
    %sign3A_85 = arith.cmpi sgt, %jit3A_75, %sign3A_84 : i32
    %sign3A_86 = arith.extui %sign3A_85 : i1 to i32
    %sign3A_87 = arith.constant 0 : i32
    %sign3A_88 = arith.cmpi slt, %jit3A_75, %sign3A_87 : i32
    %sign3A_89 = arith.extui %sign3A_88 : i1 to i32
    %sign3A_90 = arith.subi %sign3A_86, %sign3A_89 : i32
    %ne3A_91 = arith.cmpi ne, %sign3A_83, %sign3A_90 : i32
    %rem3A_92 = arith.remsi %sub3A_74, %jit3A_75 : i32
    %ne3A_93 = arith.constant 0 : i32
    %ne3A_94 = arith.cmpi ne, %rem3A_92, %ne3A_93 : i32
    %and3A_95 = arith.andi %ne3A_91, %ne3A_94 : i1
    %sub3A_96 = arith.constant 1 : i32
    %sub3A_97 = arith.subi %div3A_76, %sub3A_96 : i32
    %select_n3A_98 = arith.select %and3A_95, %sub3A_97, %div3A_76 : i32
    %while3A = arith.constant 0 : i32
    %while3A_99 = arith.constant 0 : i32
    %while3A_100 = arith.subi %select_n3A_98, %while3A_99 : i32
    %while3A_101 = arith.addi %while3A_99, %while3A_100 : i32
    %while3A_102 = arith.constant 1 : i32
    %while3A_103 = arith.divsi %while3A_100, %while3A_102 : i32
    %while3A_104 = arith.muli %while3A_103, %while3A_102 : i32
    %while3A_105 = arith.addi %while3A_99, %while3A_104 : i32
    %while3A_106 = arith.constant 1 : i32
    scf.for %while3A_127 = %while3A_99 to %while3A_105 step %while3A_106  : i32 {
      %mul3A_128 = arith.constant 3 : i32
      %mul3A_129 = arith.muli %while3A_127, %mul3A_128 : i32
      %add3A_130 = arith.addi %select_n3A, %mul3A_129 : i32
      %add3A_131 = arith.constant 0 : i32
      %add3A_132 = arith.addi %add3A_130, %add3A_131 : i32
      %lt3A_133 = arith.cmpi slt, %add3A_132, %select_n3A_48 : i32
      %convert_element_type3A_134 = arith.extui %lt3A_133 : i1 to i32
      %cond3A_135 = arith.constant 0 : i32
      %cond3A_136 = arith.cmpi ne, %convert_element_type3A_134, %cond3A_135 : i32
      scf.if %cond3A_136 {
        %dma_wait3A_149 = arith.constant 0 : i32
        %dma_wait3A_150 = tpu.memref_slice %arg3[%dma_wait3A_149] : memref<320000xi32, #tpu.memory_space<hbm>> -> memref<128xi32, #tpu.memory_space<hbm>>
        %dma_wait3A_151 = arith.constant 0 : i32
        %dma_wait3A_152 = tpu.memref_slice %arg3[%dma_wait3A_151] : memref<320000xi32, #tpu.memory_space<hbm>> -> memref<128xi32, #tpu.memory_space<hbm>>
        tpu.wait_dma2 semaphore(%arg7 : memref<!tpu.dma_semaphore, #tpu.memory_space<semaphore_mem>>) src(%dma_wait3A_152 : memref<128xi32, #tpu.memory_space<hbm>>) dst(%arg5 : memref<128xi32, #tpu.memory_space<vmem>>)
        %dma_wait3A_153 = arith.constant 0 : i32
        %dma_wait3A_154 = arith.constant 0 : i32
        %dma_wait3A_155 = tpu.memref_slice %arg2[%dma_wait3A_153, %dma_wait3A_154] : memref<320000x128xf32, #tpu.memory_space<hbm>> -> memref<128x128xf32, #tpu.memory_space<hbm>>
        %dma_wait3A_156 = arith.constant 0 : i32
        %dma_wait3A_157 = arith.constant 0 : i32
        %dma_wait3A_158 = tpu.memref_slice %arg2[%dma_wait3A_156, %dma_wait3A_157] : memref<320000x128xf32, #tpu.memory_space<hbm>> -> memref<128x128xf32, #tpu.memory_space<hbm>>
        tpu.wait_dma2 semaphore(%arg7 : memref<!tpu.dma_semaphore, #tpu.memory_space<semaphore_mem>>) src(%dma_wait3A_158 : memref<128x128xf32, #tpu.memory_space<hbm>>) dst(%arg6 : memref<128x128xf32, #tpu.memory_space<vmem>>)
        %dma_start3A_159 = arith.constant 0 : i32
        %dma_start3A_160 = arith.constant 0 : i32
        %dma_start3A_161 = tpu.memref_slice %arg17[%dma_start3A_159, %dma_start3A_160] : memref<10000x128xf32, #tpu.memory_space<vmem_shared>> -> memref<10000x128xf32, #tpu.memory_space<vmem_shared>>
        tpu.enqueue_indirect_dma source(%arg6 : memref<128x128xf32, #tpu.memory_space<vmem>>) target(%dma_start3A_161 : memref<10000x128xf32, #tpu.memory_space<vmem_shared>>) offsets(%arg5 : memref<128xi32, #tpu.memory_space<vmem>>) semaphore(%arg8 : memref<!tpu.dma_semaphore, #tpu.memory_space<semaphore_mem>>) {add = true}
        %add3A_162 = arith.constant 1 : i32
        %add3A_163 = arith.addi %add3A_132, %add3A_162 : i32
        %lt3A_164 = arith.cmpi slt, %add3A_163, %select_n3A_48 : i32
        %convert_element_type3A_165 = arith.extui %lt3A_164 : i1 to i32
        %cond3A_166 = arith.constant 0 : i32
        %cond3A_167 = arith.cmpi ne, %convert_element_type3A_165, %cond3A_166 : i32
        scf.if %cond3A_167 {
          %add3A_168 = arith.constant 1 : i32
          %add3A_169 = arith.addi %add3A_132, %add3A_168 : i32
          %sub3A_170 = arith.constant 3 : i32
          %sub3A_171 = arith.subi %add3A_169, %sub3A_170 : i32
          %ge3A = arith.cmpi sge, %sub3A_171, %select_n3A : i32
          %convert_element_type3A_172 = arith.extui %ge3A : i1 to i32
          %cond3A_173 = arith.constant 0 : i32
          %cond3A_174 = arith.cmpi ne, %convert_element_type3A_172, %cond3A_173 : i32
          scf.if %cond3A_174 {
            %dma_wait3A_187 = arith.constant 0 : i32
            %dma_wait3A_188 = arith.constant 0 : i32
            %dma_wait3A_189 = tpu.memref_slice %arg17[%dma_wait3A_187, %dma_wait3A_188] : memref<10000x128xf32, #tpu.memory_space<vmem_shared>> -> memref<10000x128xf32, #tpu.memory_space<vmem_shared>>
            tpu.wait_indirect_dma semaphore(%arg12 : memref<!tpu.dma_semaphore, #tpu.memory_space<semaphore_mem>>) src(%arg10 : memref<128x128xf32, #tpu.memory_space<vmem>>) dst(%dma_wait3A_189 : memref<10000x128xf32, #tpu.memory_space<vmem_shared>>)
          } else {
          }
          %add3A_175 = arith.constant 1 : i32
          %add3A_176 = arith.addi %add3A_132, %add3A_175 : i32
          %mul3A_177 = arith.constant 128 : i32
          %mul3A_178 = arith.muli %add3A_176, %mul3A_177 : i32
          %dma_start3A_179 = tpu.memref_slice %arg3[%mul3A_178] : memref<320000xi32, #tpu.memory_space<hbm>> -> memref<128xi32, #tpu.memory_space<hbm>>
          %dma_start3A_180 = tpu.memref_slice %arg3[%mul3A_178] : memref<320000xi32, #tpu.memory_space<hbm>> -> memref<128xi32, #tpu.memory_space<hbm>>
          tpu.enqueue_dma source(%dma_start3A_180 : memref<128xi32, #tpu.memory_space<hbm>>) target(%arg9 : memref<128xi32, #tpu.memory_space<vmem>>) target_semaphore(%arg11 : memref<!tpu.dma_semaphore, #tpu.memory_space<semaphore_mem>>)
          %mul3A_181 = arith.constant 128 : i32
          %mul3A_182 = arith.muli %add3A_176, %mul3A_181 : i32
          %dma_start3A_183 = arith.constant 0 : i32
          %dma_start3A_184 = tpu.memref_slice %arg2[%mul3A_182, %dma_start3A_183] : memref<320000x128xf32, #tpu.memory_space<hbm>> -> memref<128x128xf32, #tpu.memory_space<hbm>>
          %dma_start3A_185 = arith.constant 0 : i32
          %dma_start3A_186 = tpu.memref_slice %arg2[%mul3A_182, %dma_start3A_185] : memref<320000x128xf32, #tpu.memory_space<hbm>> -> memref<128x128xf32, #tpu.memory_space<hbm>>
          tpu.enqueue_dma source(%dma_start3A_186 : memref<128x128xf32, #tpu.memory_space<hbm>>) target(%arg10 : memref<128x128xf32, #tpu.memory_space<vmem>>) target_semaphore(%arg11 : memref<!tpu.dma_semaphore, #tpu.memory_space<semaphore_mem>>)
        } else {
        }
      } else {
      }
      %add3A_137 = arith.constant 1 : i32
      %add3A_138 = arith.addi %add3A_130, %add3A_137 : i32
      %lt3A_139 = arith.cmpi slt, %add3A_138, %select_n3A_48 : i32
      %convert_element_type3A_140 = arith.extui %lt3A_139 : i1 to i32
      %cond3A_141 = arith.constant 0 : i32
      %cond3A_142 = arith.cmpi ne, %convert_element_type3A_140, %cond3A_141 : i32
      scf.if %cond3A_142 {
        %dma_wait3A_149 = arith.constant 0 : i32
        %dma_wait3A_150 = tpu.memref_slice %arg3[%dma_wait3A_149] : memref<320000xi32, #tpu.memory_space<hbm>> -> memref<128xi32, #tpu.memory_space<hbm>>
        %dma_wait3A_151 = arith.constant 0 : i32
        %dma_wait3A_152 = tpu.memref_slice %arg3[%dma_wait3A_151] : memref<320000xi32, #tpu.memory_space<hbm>> -> memref<128xi32, #tpu.memory_space<hbm>>
        tpu.wait_dma2 semaphore(%arg11 : memref<!tpu.dma_semaphore, #tpu.memory_space<semaphore_mem>>) src(%dma_wait3A_152 : memref<128xi32, #tpu.memory_space<hbm>>) dst(%arg9 : memref<128xi32, #tpu.memory_space<vmem>>)
        %dma_wait3A_153 = arith.constant 0 : i32
        %dma_wait3A_154 = arith.constant 0 : i32
        %dma_wait3A_155 = tpu.memref_slice %arg2[%dma_wait3A_153, %dma_wait3A_154] : memref<320000x128xf32, #tpu.memory_space<hbm>> -> memref<128x128xf32, #tpu.memory_space<hbm>>
        %dma_wait3A_156 = arith.constant 0 : i32
        %dma_wait3A_157 = arith.constant 0 : i32
        %dma_wait3A_158 = tpu.memref_slice %arg2[%dma_wait3A_156, %dma_wait3A_157] : memref<320000x128xf32, #tpu.memory_space<hbm>> -> memref<128x128xf32, #tpu.memory_space<hbm>>
        tpu.wait_dma2 semaphore(%arg11 : memref<!tpu.dma_semaphore, #tpu.memory_space<semaphore_mem>>) src(%dma_wait3A_158 : memref<128x128xf32, #tpu.memory_space<hbm>>) dst(%arg10 : memref<128x128xf32, #tpu.memory_space<vmem>>)
        %dma_start3A_159 = arith.constant 0 : i32
        %dma_start3A_160 = arith.constant 0 : i32
        %dma_start3A_161 = tpu.memref_slice %arg17[%dma_start3A_159, %dma_start3A_160] : memref<10000x128xf32, #tpu.memory_space<vmem_shared>> -> memref<10000x128xf32, #tpu.memory_space<vmem_shared>>
        tpu.enqueue_indirect_dma source(%arg10 : memref<128x128xf32, #tpu.memory_space<vmem>>) target(%dma_start3A_161 : memref<10000x128xf32, #tpu.memory_space<vmem_shared>>) offsets(%arg9 : memref<128xi32, #tpu.memory_space<vmem>>) semaphore(%arg12 : memref<!tpu.dma_semaphore, #tpu.memory_space<semaphore_mem>>) {add = true}
        %add3A_162 = arith.constant 1 : i32
        %add3A_163 = arith.addi %add3A_138, %add3A_162 : i32
        %lt3A_164 = arith.cmpi slt, %add3A_163, %select_n3A_48 : i32
        %convert_element_type3A_165 = arith.extui %lt3A_164 : i1 to i32
        %cond3A_166 = arith.constant 0 : i32
        %cond3A_167 = arith.cmpi ne, %convert_element_type3A_165, %cond3A_166 : i32
        scf.if %cond3A_167 {
          %add3A_168 = arith.constant 1 : i32
          %add3A_169 = arith.addi %add3A_138, %add3A_168 : i32
          %sub3A_170 = arith.constant 3 : i32
          %sub3A_171 = arith.subi %add3A_169, %sub3A_170 : i32
          %ge3A = arith.cmpi sge, %sub3A_171, %select_n3A : i32
          %convert_element_type3A_172 = arith.extui %ge3A : i1 to i32
          %cond3A_173 = arith.constant 0 : i32
          %cond3A_174 = arith.cmpi ne, %convert_element_type3A_172, %cond3A_173 : i32
          scf.if %cond3A_174 {
            %dma_wait3A_187 = arith.constant 0 : i32
            %dma_wait3A_188 = arith.constant 0 : i32
            %dma_wait3A_189 = tpu.memref_slice %arg17[%dma_wait3A_187, %dma_wait3A_188] : memref<10000x128xf32, #tpu.memory_space<vmem_shared>> -> memref<10000x128xf32, #tpu.memory_space<vmem_shared>>
            tpu.wait_indirect_dma semaphore(%arg16 : memref<!tpu.dma_semaphore, #tpu.memory_space<semaphore_mem>>) src(%arg14 : memref<128x128xf32, #tpu.memory_space<vmem>>) dst(%dma_wait3A_189 : memref<10000x128xf32, #tpu.memory_space<vmem_shared>>)
          } else {
          }
          %add3A_175 = arith.constant 1 : i32
          %add3A_176 = arith.addi %add3A_138, %add3A_175 : i32
          %mul3A_177 = arith.constant 128 : i32
          %mul3A_178 = arith.muli %add3A_176, %mul3A_177 : i32
          %dma_start3A_179 = tpu.memref_slice %arg3[%mul3A_178] : memref<320000xi32, #tpu.memory_space<hbm>> -> memref<128xi32, #tpu.memory_space<hbm>>
          %dma_start3A_180 = tpu.memref_slice %arg3[%mul3A_178] : memref<320000xi32, #tpu.memory_space<hbm>> -> memref<128xi32, #tpu.memory_space<hbm>>
          tpu.enqueue_dma source(%dma_start3A_180 : memref<128xi32, #tpu.memory_space<hbm>>) target(%arg13 : memref<128xi32, #tpu.memory_space<vmem>>) target_semaphore(%arg15 : memref<!tpu.dma_semaphore, #tpu.memory_space<semaphore_mem>>)
          %mul3A_181 = arith.constant 128 : i32
          %mul3A_182 = arith.muli %add3A_176, %mul3A_181 : i32
          %dma_start3A_183 = arith.constant 0 : i32
          %dma_start3A_184 = tpu.memref_slice %arg2[%mul3A_182, %dma_start3A_183] : memref<320000x128xf32, #tpu.memory_space<hbm>> -> memref<128x128xf32, #tpu.memory_space<hbm>>
          %dma_start3A_185 = arith.constant 0 : i32
          %dma_start3A_186 = tpu.memref_slice %arg2[%mul3A_182, %dma_start3A_185] : memref<320000x128xf32, #tpu.memory_space<hbm>> -> memref<128x128xf32, #tpu.memory_space<hbm>>
          tpu.enqueue_dma source(%dma_start3A_186 : memref<128x128xf32, #tpu.memory_space<hbm>>) target(%arg14 : memref<128x128xf32, #tpu.memory_space<vmem>>) target_semaphore(%arg15 : memref<!tpu.dma_semaphore, #tpu.memory_space<semaphore_mem>>)
        } else {
        }
      } else {
      }
      %add3A_143 = arith.constant 2 : i32
      %add3A_144 = arith.addi %add3A_130, %add3A_143 : i32
      %lt3A_145 = arith.cmpi slt, %add3A_144, %select_n3A_48 : i32
      %convert_element_type3A_146 = arith.extui %lt3A_145 : i1 to i32
      %cond3A_147 = arith.constant 0 : i32
      %cond3A_148 = arith.cmpi ne, %convert_element_type3A_146, %cond3A_147 : i32
      scf.if %cond3A_148 {
        %dma_wait3A_149 = arith.constant 0 : i32
        %dma_wait3A_150 = tpu.memref_slice %arg3[%dma_wait3A_149] : memref<320000xi32, #tpu.memory_space<hbm>> -> memref<128xi32, #tpu.memory_space<hbm>>
        %dma_wait3A_151 = arith.constant 0 : i32
        %dma_wait3A_152 = tpu.memref_slice %arg3[%dma_wait3A_151] : memref<320000xi32, #tpu.memory_space<hbm>> -> memref<128xi32, #tpu.memory_space<hbm>>
        tpu.wait_dma2 semaphore(%arg15 : memref<!tpu.dma_semaphore, #tpu.memory_space<semaphore_mem>>) src(%dma_wait3A_152 : memref<128xi32, #tpu.memory_space<hbm>>) dst(%arg13 : memref<128xi32, #tpu.memory_space<vmem>>)
        %dma_wait3A_153 = arith.constant 0 : i32
        %dma_wait3A_154 = arith.constant 0 : i32
        %dma_wait3A_155 = tpu.memref_slice %arg2[%dma_wait3A_153, %dma_wait3A_154] : memref<320000x128xf32, #tpu.memory_space<hbm>> -> memref<128x128xf32, #tpu.memory_space<hbm>>
        %dma_wait3A_156 = arith.constant 0 : i32
        %dma_wait3A_157 = arith.constant 0 : i32
        %dma_wait3A_158 = tpu.memref_slice %arg2[%dma_wait3A_156, %dma_wait3A_157] : memref<320000x128xf32, #tpu.memory_space<hbm>> -> memref<128x128xf32, #tpu.memory_space<hbm>>
        tpu.wait_dma2 semaphore(%arg15 : memref<!tpu.dma_semaphore, #tpu.memory_space<semaphore_mem>>) src(%dma_wait3A_158 : memref<128x128xf32, #tpu.memory_space<hbm>>) dst(%arg14 : memref<128x128xf32, #tpu.memory_space<vmem>>)
        %dma_start3A_159 = arith.constant 0 : i32
        %dma_start3A_160 = arith.constant 0 : i32
        %dma_start3A_161 = tpu.memref_slice %arg17[%dma_start3A_159, %dma_start3A_160] : memref<10000x128xf32, #tpu.memory_space<vmem_shared>> -> memref<10000x128xf32, #tpu.memory_space<vmem_shared>>
        tpu.enqueue_indirect_dma source(%arg14 : memref<128x128xf32, #tpu.memory_space<vmem>>) target(%dma_start3A_161 : memref<10000x128xf32, #tpu.memory_space<vmem_shared>>) offsets(%arg13 : memref<128xi32, #tpu.memory_space<vmem>>) semaphore(%arg16 : memref<!tpu.dma_semaphore, #tpu.memory_space<semaphore_mem>>) {add = true}
        %add3A_162 = arith.constant 1 : i32
        %add3A_163 = arith.addi %add3A_144, %add3A_162 : i32
        %lt3A_164 = arith.cmpi slt, %add3A_163, %select_n3A_48 : i32
        %convert_element_type3A_165 = arith.extui %lt3A_164 : i1 to i32
        %cond3A_166 = arith.constant 0 : i32
        %cond3A_167 = arith.cmpi ne, %convert_element_type3A_165, %cond3A_166 : i32
        scf.if %cond3A_167 {
          %add3A_168 = arith.constant 1 : i32
          %add3A_169 = arith.addi %add3A_144, %add3A_168 : i32
          %sub3A_170 = arith.constant 3 : i32
          %sub3A_171 = arith.subi %add3A_169, %sub3A_170 : i32
          %ge3A = arith.cmpi sge, %sub3A_171, %select_n3A : i32
          %convert_element_type3A_172 = arith.extui %ge3A : i1 to i32
          %cond3A_173 = arith.constant 0 : i32
          %cond3A_174 = arith.cmpi ne, %convert_element_type3A_172, %cond3A_173 : i32
          scf.if %cond3A_174 {
            %dma_wait3A_187 = arith.constant 0 : i32
            %dma_wait3A_188 = arith.constant 0 : i32
            %dma_wait3A_189 = tpu.memref_slice %arg17[%dma_wait3A_187, %dma_wait3A_188] : memref<10000x128xf32, #tpu.memory_space<vmem_shared>> -> memref<10000x128xf32, #tpu.memory_space<vmem_shared>>
            tpu.wait_indirect_dma semaphore(%arg8 : memref<!tpu.dma_semaphore, #tpu.memory_space<semaphore_mem>>) src(%arg6 : memref<128x128xf32, #tpu.memory_space<vmem>>) dst(%dma_wait3A_189 : memref<10000x128xf32, #tpu.memory_space<vmem_shared>>)
          } else {
          }
          %add3A_175 = arith.constant 1 : i32
          %add3A_176 = arith.addi %add3A_144, %add3A_175 : i32
          %mul3A_177 = arith.constant 128 : i32
          %mul3A_178 = arith.muli %add3A_176, %mul3A_177 : i32
          %dma_start3A_179 = tpu.memref_slice %arg3[%mul3A_178] : memref<320000xi32, #tpu.memory_space<hbm>> -> memref<128xi32, #tpu.memory_space<hbm>>
          %dma_start3A_180 = tpu.memref_slice %arg3[%mul3A_178] : memref<320000xi32, #tpu.memory_space<hbm>> -> memref<128xi32, #tpu.memory_space<hbm>>
          tpu.enqueue_dma source(%dma_start3A_180 : memref<128xi32, #tpu.memory_space<hbm>>) target(%arg5 : memref<128xi32, #tpu.memory_space<vmem>>) target_semaphore(%arg7 : memref<!tpu.dma_semaphore, #tpu.memory_space<semaphore_mem>>)
          %mul3A_181 = arith.constant 128 : i32
          %mul3A_182 = arith.muli %add3A_176, %mul3A_181 : i32
          %dma_start3A_183 = arith.constant 0 : i32
          %dma_start3A_184 = tpu.memref_slice %arg2[%mul3A_182, %dma_start3A_183] : memref<320000x128xf32, #tpu.memory_space<hbm>> -> memref<128x128xf32, #tpu.memory_space<hbm>>
          %dma_start3A_185 = arith.constant 0 : i32
          %dma_start3A_186 = tpu.memref_slice %arg2[%mul3A_182, %dma_start3A_185] : memref<320000x128xf32, #tpu.memory_space<hbm>> -> memref<128x128xf32, #tpu.memory_space<hbm>>
          tpu.enqueue_dma source(%dma_start3A_186 : memref<128x128xf32, #tpu.memory_space<hbm>>) target(%arg6 : memref<128x128xf32, #tpu.memory_space<vmem>>) target_semaphore(%arg7 : memref<!tpu.dma_semaphore, #tpu.memory_space<semaphore_mem>>)
        } else {
        }
      } else {
      }
    }
    %while3A_107 = arith.constant 1 : i32
    scf.for %while3A_127 = %while3A_105 to %while3A_101 step %while3A_107  : i32 {
      %mul3A_128 = arith.constant 3 : i32
      %mul3A_129 = arith.muli %while3A_127, %mul3A_128 : i32
      %add3A_130 = arith.addi %select_n3A, %mul3A_129 : i32
      %add3A_131 = arith.constant 0 : i32
      %add3A_132 = arith.addi %add3A_130, %add3A_131 : i32
      %lt3A_133 = arith.cmpi slt, %add3A_132, %select_n3A_48 : i32
      %convert_element_type3A_134 = arith.extui %lt3A_133 : i1 to i32
      %cond3A_135 = arith.constant 0 : i32
      %cond3A_136 = arith.cmpi ne, %convert_element_type3A_134, %cond3A_135 : i32
      scf.if %cond3A_136 {
        %dma_wait3A_149 = arith.constant 0 : i32
        %dma_wait3A_150 = tpu.memref_slice %arg3[%dma_wait3A_149] : memref<320000xi32, #tpu.memory_space<hbm>> -> memref<128xi32, #tpu.memory_space<hbm>>
        %dma_wait3A_151 = arith.constant 0 : i32
        %dma_wait3A_152 = tpu.memref_slice %arg3[%dma_wait3A_151] : memref<320000xi32, #tpu.memory_space<hbm>> -> memref<128xi32, #tpu.memory_space<hbm>>
        tpu.wait_dma2 semaphore(%arg7 : memref<!tpu.dma_semaphore, #tpu.memory_space<semaphore_mem>>) src(%dma_wait3A_152 : memref<128xi32, #tpu.memory_space<hbm>>) dst(%arg5 : memref<128xi32, #tpu.memory_space<vmem>>)
        %dma_wait3A_153 = arith.constant 0 : i32
        %dma_wait3A_154 = arith.constant 0 : i32
        %dma_wait3A_155 = tpu.memref_slice %arg2[%dma_wait3A_153, %dma_wait3A_154] : memref<320000x128xf32, #tpu.memory_space<hbm>> -> memref<128x128xf32, #tpu.memory_space<hbm>>
        %dma_wait3A_156 = arith.constant 0 : i32
        %dma_wait3A_157 = arith.constant 0 : i32
        %dma_wait3A_158 = tpu.memref_slice %arg2[%dma_wait3A_156, %dma_wait3A_157] : memref<320000x128xf32, #tpu.memory_space<hbm>> -> memref<128x128xf32, #tpu.memory_space<hbm>>
        tpu.wait_dma2 semaphore(%arg7 : memref<!tpu.dma_semaphore, #tpu.memory_space<semaphore_mem>>) src(%dma_wait3A_158 : memref<128x128xf32, #tpu.memory_space<hbm>>) dst(%arg6 : memref<128x128xf32, #tpu.memory_space<vmem>>)
        %dma_start3A_159 = arith.constant 0 : i32
        %dma_start3A_160 = arith.constant 0 : i32
        %dma_start3A_161 = tpu.memref_slice %arg17[%dma_start3A_159, %dma_start3A_160] : memref<10000x128xf32, #tpu.memory_space<vmem_shared>> -> memref<10000x128xf32, #tpu.memory_space<vmem_shared>>
        tpu.enqueue_indirect_dma source(%arg6 : memref<128x128xf32, #tpu.memory_space<vmem>>) target(%dma_start3A_161 : memref<10000x128xf32, #tpu.memory_space<vmem_shared>>) offsets(%arg5 : memref<128xi32, #tpu.memory_space<vmem>>) semaphore(%arg8 : memref<!tpu.dma_semaphore, #tpu.memory_space<semaphore_mem>>) {add = true}
        %add3A_162 = arith.constant 1 : i32
        %add3A_163 = arith.addi %add3A_132, %add3A_162 : i32
        %lt3A_164 = arith.cmpi slt, %add3A_163, %select_n3A_48 : i32
        %convert_element_type3A_165 = arith.extui %lt3A_164 : i1 to i32
        %cond3A_166 = arith.constant 0 : i32
        %cond3A_167 = arith.cmpi ne, %convert_element_type3A_165, %cond3A_166 : i32
        scf.if %cond3A_167 {
          %add3A_168 = arith.constant 1 : i32
          %add3A_169 = arith.addi %add3A_132, %add3A_168 : i32
          %sub3A_170 = arith.constant 3 : i32
          %sub3A_171 = arith.subi %add3A_169, %sub3A_170 : i32
          %ge3A = arith.cmpi sge, %sub3A_171, %select_n3A : i32
          %convert_element_type3A_172 = arith.extui %ge3A : i1 to i32
          %cond3A_173 = arith.constant 0 : i32
          %cond3A_174 = arith.cmpi ne, %convert_element_type3A_172, %cond3A_173 : i32
          scf.if %cond3A_174 {
            %dma_wait3A_187 = arith.constant 0 : i32
            %dma_wait3A_188 = arith.constant 0 : i32
            %dma_wait3A_189 = tpu.memref_slice %arg17[%dma_wait3A_187, %dma_wait3A_188] : memref<10000x128xf32, #tpu.memory_space<vmem_shared>> -> memref<10000x128xf32, #tpu.memory_space<vmem_shared>>
            tpu.wait_indirect_dma semaphore(%arg12 : memref<!tpu.dma_semaphore, #tpu.memory_space<semaphore_mem>>) src(%arg10 : memref<128x128xf32, #tpu.memory_space<vmem>>) dst(%dma_wait3A_189 : memref<10000x128xf32, #tpu.memory_space<vmem_shared>>)
          } else {
          }
          %add3A_175 = arith.constant 1 : i32
          %add3A_176 = arith.addi %add3A_132, %add3A_175 : i32
          %mul3A_177 = arith.constant 128 : i32
          %mul3A_178 = arith.muli %add3A_176, %mul3A_177 : i32
          %dma_start3A_179 = tpu.memref_slice %arg3[%mul3A_178] : memref<320000xi32, #tpu.memory_space<hbm>> -> memref<128xi32, #tpu.memory_space<hbm>>
          %dma_start3A_180 = tpu.memref_slice %arg3[%mul3A_178] : memref<320000xi32, #tpu.memory_space<hbm>> -> memref<128xi32, #tpu.memory_space<hbm>>
          tpu.enqueue_dma source(%dma_start3A_180 : memref<128xi32, #tpu.memory_space<hbm>>) target(%arg9 : memref<128xi32, #tpu.memory_space<vmem>>) target_semaphore(%arg11 : memref<!tpu.dma_semaphore, #tpu.memory_space<semaphore_mem>>)
          %mul3A_181 = arith.constant 128 : i32
          %mul3A_182 = arith.muli %add3A_176, %mul3A_181 : i32
          %dma_start3A_183 = arith.constant 0 : i32
          %dma_start3A_184 = tpu.memref_slice %arg2[%mul3A_182, %dma_start3A_183] : memref<320000x128xf32, #tpu.memory_space<hbm>> -> memref<128x128xf32, #tpu.memory_space<hbm>>
          %dma_start3A_185 = arith.constant 0 : i32
          %dma_start3A_186 = tpu.memref_slice %arg2[%mul3A_182, %dma_start3A_185] : memref<320000x128xf32, #tpu.memory_space<hbm>> -> memref<128x128xf32, #tpu.memory_space<hbm>>
          tpu.enqueue_dma source(%dma_start3A_186 : memref<128x128xf32, #tpu.memory_space<hbm>>) target(%arg10 : memref<128x128xf32, #tpu.memory_space<vmem>>) target_semaphore(%arg11 : memref<!tpu.dma_semaphore, #tpu.memory_space<semaphore_mem>>)
        } else {
        }
      } else {
      }
      %add3A_137 = arith.constant 1 : i32
      %add3A_138 = arith.addi %add3A_130, %add3A_137 : i32
      %lt3A_139 = arith.cmpi slt, %add3A_138, %select_n3A_48 : i32
      %convert_element_type3A_140 = arith.extui %lt3A_139 : i1 to i32
      %cond3A_141 = arith.constant 0 : i32
      %cond3A_142 = arith.cmpi ne, %convert_element_type3A_140, %cond3A_141 : i32
      scf.if %cond3A_142 {
        %dma_wait3A_149 = arith.constant 0 : i32
        %dma_wait3A_150 = tpu.memref_slice %arg3[%dma_wait3A_149] : memref<320000xi32, #tpu.memory_space<hbm>> -> memref<128xi32, #tpu.memory_space<hbm>>
        %dma_wait3A_151 = arith.constant 0 : i32
        %dma_wait3A_152 = tpu.memref_slice %arg3[%dma_wait3A_151] : memref<320000xi32, #tpu.memory_space<hbm>> -> memref<128xi32, #tpu.memory_space<hbm>>
        tpu.wait_dma2 semaphore(%arg11 : memref<!tpu.dma_semaphore, #tpu.memory_space<semaphore_mem>>) src(%dma_wait3A_152 : memref<128xi32, #tpu.memory_space<hbm>>) dst(%arg9 : memref<128xi32, #tpu.memory_space<vmem>>)
        %dma_wait3A_153 = arith.constant 0 : i32
        %dma_wait3A_154 = arith.constant 0 : i32
        %dma_wait3A_155 = tpu.memref_slice %arg2[%dma_wait3A_153, %dma_wait3A_154] : memref<320000x128xf32, #tpu.memory_space<hbm>> -> memref<128x128xf32, #tpu.memory_space<hbm>>
        %dma_wait3A_156 = arith.constant 0 : i32
        %dma_wait3A_157 = arith.constant 0 : i32
        %dma_wait3A_158 = tpu.memref_slice %arg2[%dma_wait3A_156, %dma_wait3A_157] : memref<320000x128xf32, #tpu.memory_space<hbm>> -> memref<128x128xf32, #tpu.memory_space<hbm>>
        tpu.wait_dma2 semaphore(%arg11 : memref<!tpu.dma_semaphore, #tpu.memory_space<semaphore_mem>>) src(%dma_wait3A_158 : memref<128x128xf32, #tpu.memory_space<hbm>>) dst(%arg10 : memref<128x128xf32, #tpu.memory_space<vmem>>)
        %dma_start3A_159 = arith.constant 0 : i32
        %dma_start3A_160 = arith.constant 0 : i32
        %dma_start3A_161 = tpu.memref_slice %arg17[%dma_start3A_159, %dma_start3A_160] : memref<10000x128xf32, #tpu.memory_space<vmem_shared>> -> memref<10000x128xf32, #tpu.memory_space<vmem_shared>>
        tpu.enqueue_indirect_dma source(%arg10 : memref<128x128xf32, #tpu.memory_space<vmem>>) target(%dma_start3A_161 : memref<10000x128xf32, #tpu.memory_space<vmem_shared>>) offsets(%arg9 : memref<128xi32, #tpu.memory_space<vmem>>) semaphore(%arg12 : memref<!tpu.dma_semaphore, #tpu.memory_space<semaphore_mem>>) {add = true}
        %add3A_162 = arith.constant 1 : i32
        %add3A_163 = arith.addi %add3A_138, %add3A_162 : i32
        %lt3A_164 = arith.cmpi slt, %add3A_163, %select_n3A_48 : i32
        %convert_element_type3A_165 = arith.extui %lt3A_164 : i1 to i32
        %cond3A_166 = arith.constant 0 : i32
        %cond3A_167 = arith.cmpi ne, %convert_element_type3A_165, %cond3A_166 : i32
        scf.if %cond3A_167 {
          %add3A_168 = arith.constant 1 : i32
          %add3A_169 = arith.addi %add3A_138, %add3A_168 : i32
          %sub3A_170 = arith.constant 3 : i32
          %sub3A_171 = arith.subi %add3A_169, %sub3A_170 : i32
          %ge3A = arith.cmpi sge, %sub3A_171, %select_n3A : i32
          %convert_element_type3A_172 = arith.extui %ge3A : i1 to i32
          %cond3A_173 = arith.constant 0 : i32
          %cond3A_174 = arith.cmpi ne, %convert_element_type3A_172, %cond3A_173 : i32
          scf.if %cond3A_174 {
            %dma_wait3A_187 = arith.constant 0 : i32
            %dma_wait3A_188 = arith.constant 0 : i32
            %dma_wait3A_189 = tpu.memref_slice %arg17[%dma_wait3A_187, %dma_wait3A_188] : memref<10000x128xf32, #tpu.memory_space<vmem_shared>> -> memref<10000x128xf32, #tpu.memory_space<vmem_shared>>
            tpu.wait_indirect_dma semaphore(%arg16 : memref<!tpu.dma_semaphore, #tpu.memory_space<semaphore_mem>>) src(%arg14 : memref<128x128xf32, #tpu.memory_space<vmem>>) dst(%dma_wait3A_189 : memref<10000x128xf32, #tpu.memory_space<vmem_shared>>)
          } else {
          }
          %add3A_175 = arith.constant 1 : i32
          %add3A_176 = arith.addi %add3A_138, %add3A_175 : i32
          %mul3A_177 = arith.constant 128 : i32
          %mul3A_178 = arith.muli %add3A_176, %mul3A_177 : i32
          %dma_start3A_179 = tpu.memref_slice %arg3[%mul3A_178] : memref<320000xi32, #tpu.memory_space<hbm>> -> memref<128xi32, #tpu.memory_space<hbm>>
          %dma_start3A_180 = tpu.memref_slice %arg3[%mul3A_178] : memref<320000xi32, #tpu.memory_space<hbm>> -> memref<128xi32, #tpu.memory_space<hbm>>
          tpu.enqueue_dma source(%dma_start3A_180 : memref<128xi32, #tpu.memory_space<hbm>>) target(%arg13 : memref<128xi32, #tpu.memory_space<vmem>>) target_semaphore(%arg15 : memref<!tpu.dma_semaphore, #tpu.memory_space<semaphore_mem>>)
          %mul3A_181 = arith.constant 128 : i32
          %mul3A_182 = arith.muli %add3A_176, %mul3A_181 : i32
          %dma_start3A_183 = arith.constant 0 : i32
          %dma_start3A_184 = tpu.memref_slice %arg2[%mul3A_182, %dma_start3A_183] : memref<320000x128xf32, #tpu.memory_space<hbm>> -> memref<128x128xf32, #tpu.memory_space<hbm>>
          %dma_start3A_185 = arith.constant 0 : i32
          %dma_start3A_186 = tpu.memref_slice %arg2[%mul3A_182, %dma_start3A_185] : memref<320000x128xf32, #tpu.memory_space<hbm>> -> memref<128x128xf32, #tpu.memory_space<hbm>>
          tpu.enqueue_dma source(%dma_start3A_186 : memref<128x128xf32, #tpu.memory_space<hbm>>) target(%arg14 : memref<128x128xf32, #tpu.memory_space<vmem>>) target_semaphore(%arg15 : memref<!tpu.dma_semaphore, #tpu.memory_space<semaphore_mem>>)
        } else {
        }
      } else {
      }
      %add3A_143 = arith.constant 2 : i32
      %add3A_144 = arith.addi %add3A_130, %add3A_143 : i32
      %lt3A_145 = arith.cmpi slt, %add3A_144, %select_n3A_48 : i32
      %convert_element_type3A_146 = arith.extui %lt3A_145 : i1 to i32
      %cond3A_147 = arith.constant 0 : i32
      %cond3A_148 = arith.cmpi ne, %convert_element_type3A_146, %cond3A_147 : i32
      scf.if %cond3A_148 {
        %dma_wait3A_149 = arith.constant 0 : i32
        %dma_wait3A_150 = tpu.memref_slice %arg3[%dma_wait3A_149] : memref<320000xi32, #tpu.memory_space<hbm>> -> memref<128xi32, #tpu.memory_space<hbm>>
        %dma_wait3A_151 = arith.constant 0 : i32
        %dma_wait3A_152 = tpu.memref_slice %arg3[%dma_wait3A_151] : memref<320000xi32, #tpu.memory_space<hbm>> -> memref<128xi32, #tpu.memory_space<hbm>>
        tpu.wait_dma2 semaphore(%arg15 : memref<!tpu.dma_semaphore, #tpu.memory_space<semaphore_mem>>) src(%dma_wait3A_152 : memref<128xi32, #tpu.memory_space<hbm>>) dst(%arg13 : memref<128xi32, #tpu.memory_space<vmem>>)
        %dma_wait3A_153 = arith.constant 0 : i32
        %dma_wait3A_154 = arith.constant 0 : i32
        %dma_wait3A_155 = tpu.memref_slice %arg2[%dma_wait3A_153, %dma_wait3A_154] : memref<320000x128xf32, #tpu.memory_space<hbm>> -> memref<128x128xf32, #tpu.memory_space<hbm>>
        %dma_wait3A_156 = arith.constant 0 : i32
        %dma_wait3A_157 = arith.constant 0 : i32
        %dma_wait3A_158 = tpu.memref_slice %arg2[%dma_wait3A_156, %dma_wait3A_157] : memref<320000x128xf32, #tpu.memory_space<hbm>> -> memref<128x128xf32, #tpu.memory_space<hbm>>
        tpu.wait_dma2 semaphore(%arg15 : memref<!tpu.dma_semaphore, #tpu.memory_space<semaphore_mem>>) src(%dma_wait3A_158 : memref<128x128xf32, #tpu.memory_space<hbm>>) dst(%arg14 : memref<128x128xf32, #tpu.memory_space<vmem>>)
        %dma_start3A_159 = arith.constant 0 : i32
        %dma_start3A_160 = arith.constant 0 : i32
        %dma_start3A_161 = tpu.memref_slice %arg17[%dma_start3A_159, %dma_start3A_160] : memref<10000x128xf32, #tpu.memory_space<vmem_shared>> -> memref<10000x128xf32, #tpu.memory_space<vmem_shared>>
        tpu.enqueue_indirect_dma source(%arg14 : memref<128x128xf32, #tpu.memory_space<vmem>>) target(%dma_start3A_161 : memref<10000x128xf32, #tpu.memory_space<vmem_shared>>) offsets(%arg13 : memref<128xi32, #tpu.memory_space<vmem>>) semaphore(%arg16 : memref<!tpu.dma_semaphore, #tpu.memory_space<semaphore_mem>>) {add = true}
        %add3A_162 = arith.constant 1 : i32
        %add3A_163 = arith.addi %add3A_144, %add3A_162 : i32
        %lt3A_164 = arith.cmpi slt, %add3A_163, %select_n3A_48 : i32
        %convert_element_type3A_165 = arith.extui %lt3A_164 : i1 to i32
        %cond3A_166 = arith.constant 0 : i32
        %cond3A_167 = arith.cmpi ne, %convert_element_type3A_165, %cond3A_166 : i32
        scf.if %cond3A_167 {
          %add3A_168 = arith.constant 1 : i32
          %add3A_169 = arith.addi %add3A_144, %add3A_168 : i32
          %sub3A_170 = arith.constant 3 : i32
          %sub3A_171 = arith.subi %add3A_169, %sub3A_170 : i32
          %ge3A = arith.cmpi sge, %sub3A_171, %select_n3A : i32
          %convert_element_type3A_172 = arith.extui %ge3A : i1 to i32
          %cond3A_173 = arith.constant 0 : i32
          %cond3A_174 = arith.cmpi ne, %convert_element_type3A_172, %cond3A_173 : i32
          scf.if %cond3A_174 {
            %dma_wait3A_187 = arith.constant 0 : i32
            %dma_wait3A_188 = arith.constant 0 : i32
            %dma_wait3A_189 = tpu.memref_slice %arg17[%dma_wait3A_187, %dma_wait3A_188] : memref<10000x128xf32, #tpu.memory_space<vmem_shared>> -> memref<10000x128xf32, #tpu.memory_space<vmem_shared>>
            tpu.wait_indirect_dma semaphore(%arg8 : memref<!tpu.dma_semaphore, #tpu.memory_space<semaphore_mem>>) src(%arg6 : memref<128x128xf32, #tpu.memory_space<vmem>>) dst(%dma_wait3A_189 : memref<10000x128xf32, #tpu.memory_space<vmem_shared>>)
          } else {
          }
          %add3A_175 = arith.constant 1 : i32
          %add3A_176 = arith.addi %add3A_144, %add3A_175 : i32
          %mul3A_177 = arith.constant 128 : i32
          %mul3A_178 = arith.muli %add3A_176, %mul3A_177 : i32
          %dma_start3A_179 = tpu.memref_slice %arg3[%mul3A_178] : memref<320000xi32, #tpu.memory_space<hbm>> -> memref<128xi32, #tpu.memory_space<hbm>>
          %dma_start3A_180 = tpu.memref_slice %arg3[%mul3A_178] : memref<320000xi32, #tpu.memory_space<hbm>> -> memref<128xi32, #tpu.memory_space<hbm>>
          tpu.enqueue_dma source(%dma_start3A_180 : memref<128xi32, #tpu.memory_space<hbm>>) target(%arg5 : memref<128xi32, #tpu.memory_space<vmem>>) target_semaphore(%arg7 : memref<!tpu.dma_semaphore, #tpu.memory_space<semaphore_mem>>)
          %mul3A_181 = arith.constant 128 : i32
          %mul3A_182 = arith.muli %add3A_176, %mul3A_181 : i32
          %dma_start3A_183 = arith.constant 0 : i32
          %dma_start3A_184 = tpu.memref_slice %arg2[%mul3A_182, %dma_start3A_183] : memref<320000x128xf32, #tpu.memory_space<hbm>> -> memref<128x128xf32, #tpu.memory_space<hbm>>
          %dma_start3A_185 = arith.constant 0 : i32
          %dma_start3A_186 = tpu.memref_slice %arg2[%mul3A_182, %dma_start3A_185] : memref<320000x128xf32, #tpu.memory_space<hbm>> -> memref<128x128xf32, #tpu.memory_space<hbm>>
          tpu.enqueue_dma source(%dma_start3A_186 : memref<128x128xf32, #tpu.memory_space<hbm>>) target(%arg6 : memref<128x128xf32, #tpu.memory_space<vmem>>) target_semaphore(%arg7 : memref<!tpu.dma_semaphore, #tpu.memory_space<semaphore_mem>>)
        } else {
        }
      } else {
      }
    }
    %dma_wait3A = arith.constant 0 : i32
    %dma_wait3A_108 = arith.constant 0 : i32
    %dma_wait3A_109 = tpu.memref_slice %arg17[%dma_wait3A, %dma_wait3A_108] : memref<10000x128xf32, #tpu.memory_space<vmem_shared>> -> memref<10000x128xf32, #tpu.memory_space<vmem_shared>>
    tpu.wait_indirect_dma semaphore(%arg8 : memref<!tpu.dma_semaphore, #tpu.memory_space<semaphore_mem>>) src(%arg6 : memref<128x128xf32, #tpu.memory_space<vmem>>) dst(%dma_wait3A_109 : memref<10000x128xf32, #tpu.memory_space<vmem_shared>>)
    %dma_wait3A_110 = arith.constant 0 : i32
    %dma_wait3A_111 = arith.constant 0 : i32
    %dma_wait3A_112 = tpu.memref_slice %arg17[%dma_wait3A_110, %dma_wait3A_111] : memref<10000x128xf32, #tpu.memory_space<vmem_shared>> -> memref<10000x128xf32, #tpu.memory_space<vmem_shared>>
    tpu.wait_indirect_dma semaphore(%arg12 : memref<!tpu.dma_semaphore, #tpu.memory_space<semaphore_mem>>) src(%arg10 : memref<128x128xf32, #tpu.memory_space<vmem>>) dst(%dma_wait3A_112 : memref<10000x128xf32, #tpu.memory_space<vmem_shared>>)
    %dma_wait3A_113 = arith.constant 0 : i32
    %dma_wait3A_114 = arith.constant 0 : i32
    %dma_wait3A_115 = tpu.memref_slice %arg17[%dma_wait3A_113, %dma_wait3A_114] : memref<10000x128xf32, #tpu.memory_space<vmem_shared>> -> memref<10000x128xf32, #tpu.memory_space<vmem_shared>>
    tpu.wait_indirect_dma semaphore(%arg16 : memref<!tpu.dma_semaphore, #tpu.memory_space<semaphore_mem>>) src(%arg14 : memref<128x128xf32, #tpu.memory_space<vmem>>) dst(%dma_wait3A_115 : memref<10000x128xf32, #tpu.memory_space<vmem_shared>>)
    %barrier3A_116 = arith.constant 0 : index
    tpu.barrier barrier_id(%barrier3A_116)
    %lt3A_117 = arith.constant 15 : i32
    %lt3A_118 = arith.cmpi slt, %arg1, %lt3A_117 : i32
    %convert_element_type3A_119 = arith.extui %lt3A_118 : i1 to i32
    %cond3A_120 = arith.constant 0 : i32
    %cond3A_121 = arith.cmpi ne, %convert_element_type3A_119, %cond3A_120 : i32
    scf.if %cond3A_121 {
      "tpu.region"() ({
        %run_scoped3A = tpu.sem_alloc : memref<!tpu.dma_semaphore, #tpu.memory_space<semaphore_mem>>
        %dma_start3A_127 = arith.constant 0 : i32
        %dma_start3A_128 = tpu.memref_slice %arg4[%arg0, %mul3A_2, %dma_start3A_127] : memref<2x10000x128xf32, #tpu.memory_space<hbm>> -> memref<1x624x128xf32, #tpu.memory_space<hbm>>
        %dma_start3A_129 = tpu.memref_squeeze %dma_start3A_128 : memref<1x624x128xf32, #tpu.memory_space<hbm>> -> memref<624x128xf32, #tpu.memory_space<hbm>>
        %dma_start3A_130 = arith.constant 0 : i32
        %dma_start3A_131 = tpu.memref_slice %arg17[%mul3A_2, %dma_start3A_130] : memref<10000x128xf32, #tpu.memory_space<vmem_shared>> -> memref<624x128xf32, #tpu.memory_space<vmem_shared>>
        tpu.enqueue_dma source(%dma_start3A_131 : memref<624x128xf32, #tpu.memory_space<vmem_shared>>) target(%dma_start3A_129 : memref<624x128xf32, #tpu.memory_space<hbm>>) target_semaphore(%run_scoped3A : memref<!tpu.dma_semaphore, #tpu.memory_space<semaphore_mem>>)
        %dma_wait3A_132 = arith.constant 0 : i32
        %dma_wait3A_133 = tpu.memref_slice %arg4[%arg0, %mul3A_2, %dma_wait3A_132] : memref<2x10000x128xf32, #tpu.memory_space<hbm>> -> memref<1x624x128xf32, #tpu.memory_space<hbm>>
        %dma_wait3A_134 = tpu.memref_squeeze %dma_wait3A_133 : memref<1x624x128xf32, #tpu.memory_space<hbm>> -> memref<624x128xf32, #tpu.memory_space<hbm>>
        %dma_wait3A_135 = arith.constant 0 : i32
        %dma_wait3A_136 = tpu.memref_slice %arg17[%mul3A_2, %dma_wait3A_135] : memref<10000x128xf32, #tpu.memory_space<vmem_shared>> -> memref<624x128xf32, #tpu.memory_space<vmem_shared>>
        tpu.wait_dma2 semaphore(%run_scoped3A : memref<!tpu.dma_semaphore, #tpu.memory_space<semaphore_mem>>) src(%dma_wait3A_136 : memref<624x128xf32, #tpu.memory_space<vmem_shared>>) dst(%dma_wait3A_134 : memref<624x128xf32, #tpu.memory_space<hbm>>)
        tpu.yield
      }) : () -> ()
    } else {
    }
    %eq3A_122 = arith.constant 15 : i32
    %eq3A_123 = arith.cmpi eq, %arg1, %eq3A_122 : i32
    %convert_element_type3A_124 = arith.extui %eq3A_123 : i1 to i32
    %cond3A_125 = arith.constant 0 : i32
    %cond3A_126 = arith.cmpi ne, %convert_element_type3A_124, %cond3A_125 : i32
    scf.if %cond3A_126 {
      "tpu.region"() ({
        %run_scoped3A = tpu.sem_alloc : memref<!tpu.dma_semaphore, #tpu.memory_space<semaphore_mem>>
        %dma_start3A_127 = arith.constant 0 : i32
        %dma_start3A_128 = tpu.memref_slice %arg4[%arg0, %mul3A_2, %dma_start3A_127] : memref<2x10000x128xf32, #tpu.memory_space<hbm>> -> memref<1x640x128xf32, #tpu.memory_space<hbm>>
        %dma_start3A_129 = tpu.memref_squeeze %dma_start3A_128 : memref<1x640x128xf32, #tpu.memory_space<hbm>> -> memref<640x128xf32, #tpu.memory_space<hbm>>
        %dma_start3A_130 = arith.constant 0 : i32
        %dma_start3A_131 = tpu.memref_slice %arg17[%mul3A_2, %dma_start3A_130] : memref<10000x128xf32, #tpu.memory_space<vmem_shared>> -> memref<640x128xf32, #tpu.memory_space<vmem_shared>>
        tpu.enqueue_dma source(%dma_start3A_131 : memref<640x128xf32, #tpu.memory_space<vmem_shared>>) target(%dma_start3A_129 : memref<640x128xf32, #tpu.memory_space<hbm>>) target_semaphore(%run_scoped3A : memref<!tpu.dma_semaphore, #tpu.memory_space<semaphore_mem>>)
        %dma_wait3A_132 = arith.constant 0 : i32
        %dma_wait3A_133 = tpu.memref_slice %arg4[%arg0, %mul3A_2, %dma_wait3A_132] : memref<2x10000x128xf32, #tpu.memory_space<hbm>> -> memref<1x640x128xf32, #tpu.memory_space<hbm>>
        %dma_wait3A_134 = tpu.memref_squeeze %dma_wait3A_133 : memref<1x640x128xf32, #tpu.memory_space<hbm>> -> memref<640x128xf32, #tpu.memory_space<hbm>>
        %dma_wait3A_135 = arith.constant 0 : i32
        %dma_wait3A_136 = tpu.memref_slice %arg17[%mul3A_2, %dma_wait3A_135] : memref<10000x128xf32, #tpu.memory_space<vmem_shared>> -> memref<640x128xf32, #tpu.memory_space<vmem_shared>>
        tpu.wait_dma2 semaphore(%run_scoped3A : memref<!tpu.dma_semaphore, #tpu.memory_space<semaphore_mem>>) src(%dma_wait3A_136 : memref<640x128xf32, #tpu.memory_space<vmem_shared>>) dst(%dma_wait3A_134 : memref<640x128xf32, #tpu.memory_space<hbm>>)
        tpu.yield
      }) : () -> ()
    } else {
    }
    return
  }
}

module attributes {stable_mosaic.version = 14 : i64} {
  func.func @body(%arg0: i32, %arg1: memref<2000x128xf32, #tpu.memory_space<vmem>>, %arg2: memref<2000x128xf32, #tpu.memory_space<vmem>>, %arg3: memref<2000x128xf32, #tpu.memory_space<vmem>>) attributes {dimension_semantics = [#tpu.dimension_semantics<arbitrary>], iteration_bounds = array<i64: 5>, scalar_prefetch = 0 : i64, scratch_operands = 0 : i64, tpu.core_type = #tpu.core_type<tc>, window_params = [{transform_indices = @transform_0, window_bounds = array<i64: 2000, 128>}, {transform_indices = @transform_1, window_bounds = array<i64: 2000, 128>}, {transform_indices = @transform_2, window_bounds = array<i64: 2000, 128>}]} {
    %get3A = arith.constant 0 : index
    %get3A_0 = arith.constant 0 : index
    %get3A_1 = vector.load %arg1[%get3A, %get3A_0] : memref<2000x128xf32, #tpu.memory_space<vmem>>, vector<2000x128xf32>
    %get3A_2 = arith.constant 0 : index
    %get3A_3 = arith.constant 0 : index
    %get3A_4 = vector.load %arg2[%get3A_2, %get3A_3] : memref<2000x128xf32, #tpu.memory_space<vmem>>, vector<2000x128xf32>
    %add3A = arith.addf %get3A_1, %get3A_4 : vector<2000x128xf32>
    %swap3A = arith.constant 0 : index
    %swap3A_5 = arith.constant 0 : index
    %swap3A_6 = vector.load %arg3[%swap3A, %swap3A_5] : memref<2000x128xf32, #tpu.memory_space<vmem>>, vector<2000x128xf32>
    tpu.vector_store %arg3[%swap3A, %swap3A_5], %add3A {strides = array<i32>} : memref<2000x128xf32, #tpu.memory_space<vmem>>, vector<2000x128xf32>,
    return
  }
  func.func @transform_0(%arg0: i32) -> (i32, i32) {
    %c0_i32 = arith.constant 0 : i32
    %c0_i32_0 = arith.constant 0 : i32
    return %arg0, %c0_i32 : i32, i32
  }
  func.func @transform_1(%arg0: i32) -> (i32, i32) {
    %c0_i32 = arith.constant 0 : i32
    %c0_i32_0 = arith.constant 0 : i32
    return %arg0, %c0_i32 : i32, i32
  }
  func.func @transform_2(%arg0: i32) -> (i32, i32) {
    %c0_i32 = arith.constant 0 : i32
    %c0_i32_0 = arith.constant 0 : i32
    return %arg0, %c0_i32 : i32, i32
  }
}

</mosaic_0001>

<sc_bundles>
// kernel: kernel.4.cloned.1.call-start
scs
__scs_entry_jumppad:
0x0: {  	(pc) =	sbr.rel $0x88, $3  }
0x1: {  	(tag) =	ssettag $0x0;
	lr =	simm.s32 $0x1  }
0x2: {  	[smem:$0x3F9F] =	sst lr;
	_ =	strace $0xD0000000  }
0x3: {  	_ = 	snop  }
0x4: {  	_ = 	snop  }
0x5: {  	_ = 	snop  }
0x6: {  	_ = 	snop  }
0x7: {  	_ = 	snop  }
__scs_overlays_trampoline_lowered:
0x8: {  	[smem:$0x3FAE] =	sst s0  }
0x9: {  	[smem:$0x3FAF] =	sst s1  }
0xa: {  	[smem:$0x3FB0] =	sst s2  }
0xb: {  	[smem:$0x3FB1] =	sst s3  }
0xc: {  	[smem:$0x3FB2] =	sst s4  }
0xd: {  	[smem:$0x3FB3] =	sst s5  }
0xe: {  	[smem:$0x3FB4] =	sst s6  }
0xf: {  	[smem:$0x3FB5] =	sst s7  }
0x10: {  	[smem:$0x3FB6] =	sst s8  }
0x11: {  	[smem:$0x3FB7] =	sst s9;
	s0 =	simm.s32 @!p0 $0x0  }
0x12: {  	s1 =	sld [smem:$0x3F9D];
	s0 =	simm.s32 @p0 $0x1  }
0x13: {  	[smem:$0x3FB8] =	sst s0;
	s0 =	simm.s32 @!p1 $0x0  }
0x14: {  	s2 =	sld [smem:$0x3F9C];
	s0 =	simm.s32 @p1 $0x1  }
0x15: {  	[smem:$0x3FB9] =	sst s0;
	s0 =	simm.s32 @!p2 $0x0  }
0x16: {  	s3 =	sld [smem:$0x3FDB];
	s0 =	simm.s32 @p2 $0x1  }
0x17: {  	s4 =	simm.s32 $0x1BF5;
	[smem:$0x3FBB] =	sst s0  }
0x18: {  	s0 =	sld [smem:$0x3F9E];
	_ =	swait.ge [sflag:s4], $0x0  }
0x19: {  	s7 =	sld [smem:$0x3F9F]  }
0x1a: {  	s8 =	sadd.s32 $0xFFFFE003, lr  }
0x1b: {  	s9 =	sadd.s32 $0xFFFFFEF7, lr;
	s5 =	simm.s32 $0xFFFFFFFF;
	p2 =	slt.u32 s8, $0xFFFFF086  }
0x1c: {  	p1 =	slt.u32 s9, $0xF7A;
	s5 =	simm.s32 @!p2 $0x0  }
0x1d: {  	s5 =	simm.s32 @p1 $0x1;
	p0 =	seq.s32 s7, s2  }
0x1e: {  	s7 =	smul.u32 @!p0 $0xF7A, s2;
	p2 =	seq.s32 @!p0 s5, $0x0  }
0x1f: {  	s9 =	smul.u32 $0xF7A, s1;
	s8 =	simm.s32 @!p0 $0x1BF5;
	p2 =	por !p2, p0  }
0x20: {  	[sflag:s8] =	ssyncset.s32 @!p0 $0xFFFFF086;
	s6 =	sadd.s32 @!p0 s3, s7;
	s7 =	simm.s32 @!p0 $0x108  }
0x21: {  	s3 =	sadd.s32 s3, s9;
	s6 =	sadd.s32 @!p0 $0x88, s6;
	s7 =	simm.s32 @p2 $0x1082  }
0x22: {  	[simem:s7], [sflag:s8] =	dma.local @!p0 [hbm:s6], $0xF7A  }
0x23: {  	s9 =	sor.u32 $0xD0000000, s2;
	s6 =	simm.s32 $0x108;
	_ =	swait.ge @!p0 [sflag:s8], $0x0  }
0x24: {  	s3 =	sadd.s32 $0x88, s3;
	s6 =	simm.s32 @!p1 $0x1082;
	[sflag:s4] =	ssyncset.s32 $0xFFFFF086  }
0x25: {  	[simem:s6], [sflag:s4] =	dma.local [hbm:s3], $0xF7A  }
0x26: {  	[smem:$0x3F9F] =	sst s1;
	(tag) =	ssettag s2;
	_ =	strace s9  }
0x27: {  	s1 =	sld [smem:$0x3FAF]  }
0x28: {  	s2 =	sld [smem:$0x3FB0]  }
0x29: {  	s4 =	sld [smem:$0x3FB2]  }
0x2a: {  	p0 =	seq.s32 s5, $0x0;
	s5 =	sld [smem:$0x3FB3]  }
0x2b: {  	s6 =	sld [smem:$0x3FB4]  }
0x2c: {  	s7 =	sld [smem:$0x3FB5]  }
0x2d: {  	s3 =	simm.s32 $0x108;
	s8 =	sld [smem:$0x3FB6]  }
0x2e: {  	s3 =	simm.s32 @!p0 $0x1082;
	s9 =	sld [smem:$0x3FB7]  }
0x2f: {  	lr =	sadd.s32 s0, s3;
	s0 =	sld [smem:$0x3FAE]  }
0x30: {  	s3 =	sld [smem:$0x3FB1]  }
0x31: {  	[smem:$0x3FBA] =	sst s10  }
0x32: {  	s10 =	sld [smem:$0x3FB8];
	_ =	sdelay $0x3  }
0x33: {  	p0 =	seq.s32 s10, $0x1;
	s10 =	sld [smem:$0x3FBA];
	_ =	sdelay $0x3  }
0x34: {  	[smem:$0x3FBA] =	sst s10  }
0x35: {  	s10 =	sld [smem:$0x3FB9];
	_ =	sdelay $0x3  }
0x36: {  	p1 =	seq.s32 s10, $0x1;
	s10 =	sld [smem:$0x3FBA];
	_ =	sdelay $0x3  }
0x37: {  	[smem:$0x3FBA] =	sst s10  }
0x38: {  	s10 =	sld [smem:$0x3FBB]  }
0x39: {  	_ = 	snop;
	(pc) =	sbr.ind lr, $3  }
0x3a: {  	_ = 	snop  }
0x3b: {  	_ = 	snop  }
0x3c: {  	p2 =	seq.s32 s10, $0x1;
	s10 =	sld [smem:$0x3FBA]  }
0x3d: {  	_ =	shalt  }
0x3e: {  	_ =	shalt  }
0x3f: {  	_ =	shalt  }
0x40: {  	_ =	shalt  }
0x41: {  	_ =	shalt  }
0x42: {  	_ =	shalt  }
0x43: {  	_ =	shalt  }
0x44: {  	_ =	shalt  }
0x45: {  	_ =	shalt  }
0x46: {  	_ =	shalt  }
0x47: {  	_ =	shalt  }
0x48: {  	_ =	shalt  }
0x49: {  	_ =	shalt  }
0x4a: {  	_ =	shalt  }
0x4b: {  	_ =	shalt  }
0x4c: {  	_ =	shalt  }
0x4d: {  	_ =	shalt  }
0x4e: {  	_ =	shalt  }
0x4f: {  	_ =	shalt  }
0x50: {  	_ =	shalt  }
0x51: {  	_ =	shalt  }
0x52: {  	_ =	shalt  }
0x53: {  	_ =	shalt  }
0x54: {  	_ =	shalt  }
0x55: {  	_ =	shalt  }
0x56: {  	_ =	shalt  }
0x57: {  	_ =	shalt  }
0x58: {  	_ =	shalt  }
0x59: {  	_ =	shalt  }
0x5a: {  	_ =	shalt  }
0x5b: {  	_ =	shalt  }
0x5c: {  	_ =	shalt  }
0x5d: {  	_ =	shalt  }
0x5e: {  	_ =	shalt  }
0x5f: {  	_ =	shalt  }
0x60: {  	_ =	shalt  }
0x61: {  	_ =	shalt  }
0x62: {  	_ =	shalt  }
0x63: {  	_ =	shalt  }
0x64: {  	_ =	shalt  }
0x65: {  	_ =	shalt  }
0x66: {  	_ =	shalt  }
0x67: {  	_ =	shalt  }
0x68: {  	_ =	shalt  }
0x69: {  	_ =	shalt  }
0x6a: {  	_ =	shalt  }
0x6b: {  	_ =	shalt  }
0x6c: {  	_ =	shalt  }
0x6d: {  	_ =	shalt  }
0x6e: {  	_ =	shalt  }
0x6f: {  	_ =	shalt  }
0x70: {  	_ =	shalt  }
0x71: {  	_ =	shalt  }
0x72: {  	_ =	shalt  }
0x73: {  	_ =	shalt  }
0x74: {  	_ =	shalt  }
0x75: {  	_ =	shalt  }
0x76: {  	_ =	shalt  }
0x77: {  	_ =	shalt  }
0x78: {  	_ =	shalt  }
0x79: {  	_ =	shalt  }
0x7a: {  	_ =	shalt  }
0x7b: {  	_ =	shalt  }
0x7c: {  	_ =	shalt  }
0x7d: {  	_ =	shalt  }
0x7e: {  	_ =	shalt  }
0x7f: {  	_ =	shalt  }
0x80: {  	_ =	shalt  }
0x81: {  	_ =	shalt  }
0x82: {  	_ =	shalt  }
0x83: {  	_ =	shalt  }
0x84: {  	_ =	shalt  }
0x85: {  	_ =	shalt  }
0x86: {  	_ =	shalt  }
0x87: {  	_ =	shalt  }
.Lfunc_end0:
.L_simem_size_0:
called_computation_lowered:
.L_overlay_start_0:
0x88: {  	s2 =	sld [smem:$0x3FD9]  }
0x89: {  	s3 =	sld [smem:$0x3FFE];
	_ =	sdelay $0x1  }
0x8a: {  	s1 =	srdreg.scid  }
0x8b: {  	s0 =	sand.u32 $0x1, s1  }
0x8c: {  	s17 =	sshll.u32 s0, $0xA;
	s2 =	sadd.s32 s3, s2  }
0x8d: {  	s2 =	sadd.s32 s2, s17  }
0x8e: {  	[smem:$0x3FC6] =	sst s2  }
0x8f: {  	_ = 	snop  }
0x90: {  	s2 =	sld [smem:$0x3FC9]  }
0x91: {  	s18 =	sld [smem:$0x3FC8];
	(tm) =	ssettm $0x1  }
0x92: {  	s4 =	sld [smem:$0x3FFB];
	_ =	sdelay $0x3  }
0x93: {  	_ =	strace s4  }
0x94: {  	s4 =	sld [smem:$0x3FFC];
	_ =	sdelay $0x3  }
0x95: {  	_ =	strace s4  }
0x96: {  	s4 =	sld [smem:$0x3FFD];
	_ =	sdelay $0x3  }
0x97: {  	_ =	strace s4  }
0x98: {  	_ =	strace $0x8FFFFFFF  }
0x99: {  	s19 =	sld [smem:$0x3FDB];
	_ =	sdelay $0x1  }
0x9a: {  	s5 =	simm.s32 $_scs_section_size  }
0x9b: {  	s6 =	simm.s32 $_size__tile_overlayer_lowered;
	s7 =	simm.s32 $_tile_overlayer_lowered  }
0x9c: {  	s22 =	simm.s32 $0x1BFF;
	s21 =	sshll.u32 s7, $0x1;
	s4 =	sadd.s32 s5, s19  }
0x9d: {  	s8 =	simm.s32 $0x0;
	s20 =	sshll.u32 s6, $0x1;
	s6 =	sadd.s32 s21, s4  }
0x9e: {  	[timem:s8], [sflag:s22] =	dma.local [hbm:s6], s20  }
0x9f: {  	_ =	swait.ge [sflag:s22], s20  }
0xa0: {  	s5 =	ssub.s32 $0x0, s20;
	[sflag:s22] =	ssyncset.done $0x0  }
0xa1: {  	[sflag:s22] =	ssyncadd.s32 s5;
	_ =	sdelay $0x1  }
0xa2: {  	s23 =	simm.s32 $0x1B8B  }
0xa3: {  	_ =	swait.ge [sflag:s23], $0x1  }
0xa4: {  	[sflag:s23] =	ssyncset.done $0x0  }
0xa5: {  	s25 =	simm.s32 $0x1B8E;
	s24 =	sld [smem:$0x3FFE];
	[sflag:s23] =	ssyncadd.s32 $0xFFFFFFFF  }
0xa6: {  	s26 =	simm.s32 $execute0_lowered;
	[smem:$0x3FD2] =	sst s25  }
0xa7: {  	s6 =	sshll.u32 s26, $0x1;
	_ =	strace $0x80000046;
	[dreg:$0x1] =	wrdreg $0xFFFFFFFF  }
0xa8: {  	s28 =	simm.s32 $_size_execute0_lowered;
	s4 =	sadd.s32 s4, s6;
	[dreg:$0x0] =	wrdreg $0x0  }
0xa9: {  	s6 =	sshll.u32 s28, $0x1;
	[dreg:$0x2] =	wrdreg s4  }
0xaa: {  	[dreg:$0x3] =	wrdreg s6  }
0xab: {  	[dreg:$0x4] =	wrdreg $0xC0  }
0xac: {  	_ =	task [dreg:s8], $0x5FFFF  }
0xad: {  	[dreg:$0x1] =	wrdreg $0xFFFFFFFF  }
0xae: {  	[dreg:$0x0] =	wrdreg $0x60  }
0xaf: {  	[dreg:$0x2] =	wrdreg s2  }
0xb0: {  	[dreg:$0x3] =	wrdreg s18  }
0xb1: {  	[dreg:$0x4] =	wrdreg s24  }
0xb2: {  	[dreg:$0x5] =	wrdreg $0xC1800  }
0xb3: {  	[dreg:$0x6] =	wrdreg $0x9  }
0xb4: {  	_ =	task.clear_ibuf [dreg:s8], $0x7FFFF;
	_ =	strace $0x90000046  }
0xb5: {  	s29 =	simm.s32 $0x9;
	_ =	strace $0x80000048  }
0xb6: {  	_ =	swait.ge [sflag:s29], $0x1  }
0xb7: {  	[sflag:s29] =	ssyncadd.s32 $0xFFFFFFFF  }
0xb8: {  	_ =	strace $0x90000048  }
0xb9: {  	_ =	sfence  }
0xba: {  	s30 =	sld [smem:$0x0];
	_ =	sdelay $0x2  }
0xbb: {  	s31 =	sshll.u32 s1, $0xD;
	s1 =	sshrl.u32 s1, $0x2  }
0xbc: {  	s3 =	sand.u32 $0x4000, s31;
	s1 =	sadd.s32 s1, s30  }
0xbd: {  	s0 =	sor.u32 s3, s0;
	s1 =	sshll.u32 s1, $0x11  }
0xbe: {  	s0 =	sor.u32 s1, s0  }
0xbf: {  	s0 =	sadd.s32 $0x8F2B, s0  }
0xc0: {  	[sflag:s0] =	ssyncadd.remote.s32 $0x1  }
0xc1: {  	_ =	sfence.sel $0xFFFF  }
0xc2: {  	[dreg:$0x0] =	wrdreg $0xFFFFFFFF;
	(pc) =	sbr.abs _section_cstart, $3  }
0xc3: {  	[dreg:$0x1] =	wrdreg $0xFFFFFFFF  }
0xc4: {  	_ =	task.clear_ibuf [dreg:s8], $0x2FFFF;
	_ =	strace $0x9FFFFFFF  }
0xc5: {  	(tm) =	ssettm $0x7FFFFFFF  }
tec
execute0_lowered:
.L_overlay_start_1:
0x0: {  	(tag) =	ssettag $0x1  }
0x1: {  	s0 =	rddreg [dreg:$0x0]  }
0x2: {  	s2 =	srdreg.scid;
	s1 =	rddreg [dreg:$0x1]  }
0x3: {  	s4 =	rddreg [dreg:$0x2];
	s13 =	stileid.u32  }
0x4: {  	s28 =	simm.s32 $0x6;
	s6 =	sand.u32 $0x1, s2;
	s2 =	rddreg [dreg:$0x3]  }
0x5: {  	s8 =	smul.u32 $0x4E000, s13;
	s10 =	sadd.s32 $0x600, s4;
	p6 =	seq.s32 s13, $0xF  }
0x6: {  	s3 =	sshll.u32 s6, $0x4;
	s24 =	sadd.s32 $0x128800, s2;
	s25 =	sadd.s32 $0x12C800, s2  }
0x7: {  	s26 =	sadd.s32 $0x130800, s2;
	s5 =	sor.u32 s13, s3;
	s3 =	simm.s32 $0x0  }
0x8: {  	s17 =	ssub.s32 $0x2, s6;
	s29 =	sadd.s32 $0x134800, s2;
	[smem:$0x7FF] =	sst s3  }
0x9: {  	s31 =	smul.u32 $0x138800, s6;
	_ =	strace $0x80000047;
	[dreg:$0x9] =	wrdreg s24  }
0xa: {  	s6 =	smul.u32 $0x9C40, s6;
	s20 =	sshrl.u32 s8, $0x2;
	[dreg:$0xa] =	wrdreg s25  }
0xb: {  	s7 =	smul.u32 $0x9C4, s5;
	s5 =	sadd.s32 s20, s2;
	[dreg:$0xb] =	wrdreg s26  }
0xc: {  	s18 =	sshrl.u32 s17, $0x1;
	s9 =	sadd.s32 $0x4000, s5;
	[dreg:$0xc] =	wrdreg s29  }
0xd: {  	s11 =	ssub.s32 s17, s18;
	s22 =	sadd.s32 $0x8000, s5;
	[dreg:$0x5] =	wrdreg s9  }
0xe: {  	s23 =	sadd.s32 $0xC000, s5;
	s14 =	sadd.s32 $0x10000, s5;
	[dreg:$0x6] =	wrdreg s22  }
0xf: {  	s26 =	sshrl.u32 s31, $0x3;
	s19 =	sadd.s32 $0x9C4, s7;
	[dreg:$0x7] =	wrdreg s23  }
0x10: {  	s21 =	sshrl.u32 s7, $0x5;
	s9 =	sadd.s32 $0x124800, s2;
	[dreg:$0x8] =	wrdreg s14  }
0x11: {  	s16 =	sshrl.u32 s7, $0x1;
	s14 =	smul.u32 $0x13800, s13;
	s7 =	sshll.u32 s7, $0x6  }
0x12: {  	s22 =	smul.u32 $0x9C4, s13;
	s29 =	sadd.s32 s10, s26;
	s4 =	sshrl.u32 s19, $0x5  }
0x13: {  	s26 =	simm.s32 $0x4;
	s16 =	sand.u32 $0xFFF0, s16;
	s8 =	ssub.s32 s4, s21  }
0x14: {  	s7 =	sand.u32 $0x7FF800, s7;
	s20 =	sadd.s32 $0x24900, s29;
	s12 =	sshll.u32 s8, $0x10  }
0x15: {  	s23 =	sadd.s32 s1, s16;
	s15 =	smul.u32 $0xFFFFAAAB, s8;
	s12 =	sadd.s32 $0x20000, s12  }
0x16: {  	s24 =	sadd.s32 s14, s31;
	s7 =	sadd.s32 s0, s7;
	s12 =	sshra.s32 s12, $0x10  }
0x17: {  	s6 =	sadd.s32 s22, s6;
	s15 =	sadd.s32 $0xFFFF8000, s15;
	s12 =	smul.u32 $0x5556, s12  }
0x18: {  	p0 =	slt.s32 s8, $0xFFFFFFFF;
	[dreg:$0xe] =	wrdreg s23;
	s15 =	sand.u32 $0xFFFF, s15  }
0x19: {  	p1 =	sgt.u32 s15, $0x5554;
	s17 =	sshrl.u32 s12, $0x1F;
	s12 =	sshrl.u32 s12, $0x10  }
0x1a: {  	[dreg:$0xf] =	wrdreg s7;
	p0 =	por !p0, !p1;
	s12 =	sadd.s32 s17, s12  }
0x1b: {  	s15 =	simm.s32 $0x1;
	p0 =	por !p0, !p0;
	s30 =	sshll.u32 s12, $0x10  }
0x1c: {  	s19 =	sshrl.u32 s6, $0x5;
	s15 =	simm.s32 @!p0 $0x0;
	s8 =	sshra.s32 s30, $0x10  }
0x1d: {  	s25 =	sshrl.u32 s24, $0x3;
	s31 =	sshll.u32 s19, $0xB;
	s18 =	ssub.s32 s8, s15  }
0x1e: {  	s7 =	sadd.s32 s10, s25;
	s0 =	sadd.s32 s31, s0;
	p0 =	slt.s32 s18, $0x1  }
.Ltmp0:
0x1f: {  	s15 =	sadd.s32 $0x1000, s0;
	s0 =	simm.s32 @!p0 $0x0;
	(pc) =	sbr.rel .LBB2_1-.Ltmp0, $4  }
0x20: {  	s21 =	smax.u32 s11, $0x1;
	[dreg:$0x10] =	wrdreg s7;
	s0 =	simm.s32 @p0 $0x1  }
0x21: {  	s30 =	sshll.u32 s19, $0x4;
	[smem:$0x7FC] =	sst s0;
	s0 =	simm.s32 @!p6 $0x0  }
0x22: {  	s1 =	sadd.s32 s30, s1;
	[dreg:$0xd] =	wrdreg s18;
	s0 =	simm.s32 @p6 $0x1  }
0x23: {  	v0 =	vimm.f32 $0.0e+00;
	s25 =	simm.s32 $0x2;
	s7 =	sadd.s32 $0x30, s1;
	[smem:$0x7FD] =	sst s0  }
.LBB2_5:
0x24: {  	p0 =	por $0x0, $0x0  }
0x25: {  	s0 =	simm.s32 @!p0 $0x0  }
0x26: {  	s24 =	simm.s32 $0x0;
	s0 =	simm.s32 @p0 $0x1  }
0x27: {  	s31 =	smov.u32 s15;
	s22 =	smov.u32 s7;
	[smem:$0x7FB] =	sst s0  }
.LBB2_10:
0x28: {  	s6 =	sld [smem:$0x7FB];
	_ =	sdelay $0x2  }
0x29: {  	p1 =	seq.s32 s6, $0x1  }
0x2a: {  	p0 =	por p3, !p1  }
0x2b: {  	_ =	swait.ge @!p0 [sflag:s10], $0x4000  }
0x2c: {  	p3 =	por p1, p1;
	p1 =	por p2, !p1;
	[sflag:s10] =	ssyncset.done @!p0 $0x0  }
0x2d: {  	s6 =	simm.s32 @!p0 $0x80;
	s8 =	simm.s32 @!p1 $0x6;
	[sflag:s10] =	ssyncadd.s32 @!p0 $0xFFFFC000  }
0x2e: {  	[spmem:s2] =	stream.indirect.scatter.add.f32 @!p0 [tilespmem:s11], [sflag:$0x4], $0x80, s12, s6, $0xb8;
	[tilespmem:$0x1FA00] =	vst v63  }
0x2f: {  	p2 =	por p4, !p3;
	_ =	swait.ge @!p1 [sflag:s8], $0x4000  }
0x30: {  	s10 =	simm.s32 @!p2 $0x0;
	p0 =	por p5, !p3;
	[sflag:s8] =	ssyncset.done @!p1 $0x0  }
0x31: {  	s6 =	simm.s32 @!p2 $0x8100;
	s11 =	sadd.s32 @!p2 $0xFFFFFFF0, s1;
	[sflag:s8] =	ssyncadd.s32 @!p1 $0xFFFFC000  }
0x32: {  	[tilespmem:s6], [sflag:$0x5] =	stream.linear.gather @!p2 [hbm4b:s11+s10], $0x80, $0x38;
	[tilespmem:$0x1FA00] =	vst v63  }
0x33: {  	s8 =	simm.s32 @!p0 $0x5;
	s6 =	simm.s32 @!p2 $0x8180  }
0x34: {  	[tilespmem:s6], [sflag:$0x5] =	stream.linear.gather @!p2 [hbm4b:s23+s10], $0x4000, $0x38;
	[tilespmem:$0x1FA00] =	vst v63  }
0x35: {  	s0 =	sadd.s32 @!p0 s0, s19;
	_ =	swait.ge @!p0 [sflag:s8], $0x80  }
0x36: {  	s0 =	sadd.s32 @!p0 $0x3, s0;
	[sflag:s8] =	ssyncset.done @!p0 $0x0  }
0x37: {  	s18 =	sadd.s32 s24, s19;
	p1 =	sge.u32 @!p0 s0, s4;
	[sflag:s8] =	ssyncadd.s32 @!p0 $0xFFFFFF80  }
0x38: {  	p1 =	por @p3 p1, p5;
	s11 =	simm.s32 @!p0 $0x80;
	_ =	swait.ge @!p0 [sflag:s8], $0x4000  }
0x39: {  	p2 =	por p1, !p3;
	s6 =	simm.s32 @!p0 $0x8100;
	[sflag:s8] =	ssyncset.done @!p0 $0x0  }
0x3a: {  	s10 =	simm.s32 @!p0 $0x8180;
	[sflag:s8] =	ssyncadd.s32 @!p0 $0xFFFFC000;
	s8 =	simm.s32 @!p2 $0x2  }
0x3b: {  	[spmem:s2] =	stream.indirect.scatter.add.f32 @!p0 [tilespmem:s10], [sflag:$0x6], $0x80, s6, s11, $0xb8;
	[tilespmem:$0x1FA00] =	vst v63  }
0x3c: {  	p1 =	sge.u32 s18, s4;
	_ =	swait.ge @!p2 [sflag:s8], $0x4000  }
0x3d: {  	s6 =	sadd.s32 @!p1 s24, s19;
	[sflag:s8] =	ssyncset.done @!p2 $0x0  }
0x3e: {  	s10 =	simm.s32 @!p2 $0x0;
	s11 =	sadd.s32 @!p2 $0x800, s23;
	[sflag:s8] =	ssyncadd.s32 @!p2 $0xFFFFC000  }
0x3f: {  	[tilespmem:s10], [sflag:$0x1] =	stream.linear.gather @!p2 [hbm4b:s1+s10], $0x80, $0x38;
	[tilespmem:$0x1FA00] =	vst v63  }
0x40: {  	s6 =	sadd.s32 @!p1 $0x1, s6;
	s8 =	simm.s32 @!p2 $0x80;
	s1 =	simm.s32 @!p1 $0x1  }
0x41: {  	[tilespmem:s8], [sflag:$0x1] =	stream.linear.gather @!p2 [hbm4b:s11+s10], $0x4000, $0x38;
	[tilespmem:$0x1FA00] =	vst v63  }
0x42: {  	p3 =	sge.u32 @!p1 s6, s4;
	_ =	swait.ge @!p1 [sflag:s1], $0x80  }
0x43: {  	s23 =	sadd.s32 $0x1, s18;
	p2 =	por p3, p1;
	[sflag:s1] =	ssyncset.done @!p1 $0x0  }
0x44: {  	p0 =	sge.u32 s23, s4;
	p4 =	seq.s32 @!p2 s24, $0x0;
	[sflag:s1] =	ssyncadd.s32 @!p1 $0xFFFFFF80  }
0x45: {  	s6 =	sadd.s32 @!p0 s24, s19;
	p3 =	por @!p1 p4, p3;
	_ =	swait.ge @!p1 [sflag:s1], $0x4000  }
0x46: {  	s8 =	simm.s32 @!p1 $0x0;
	p4 =	por p3, p1;
	[sflag:s1] =	ssyncset.done @!p1 $0x0  }
0x47: {  	s10 =	simm.s32 @!p1 $0x80;
	[sflag:s1] =	ssyncadd.s32 @!p1 $0xFFFFC000;
	s1 =	simm.s32 @!p4 $0x4  }
0x48: {  	[spmem:s2] =	stream.indirect.scatter.add.f32 @!p1 [tilespmem:s10], [sflag:$0x2], $0x80, s8, s10, $0xb8;
	[tilespmem:$0x1FA00] =	vst v63  }
0x49: {  	s6 =	sadd.s32 @!p0 $0x2, s6;
	_ =	swait.ge @!p4 [sflag:s1], $0x4000  }
0x4a: {  	p3 =	sge.u32 @!p0 s6, s4;
	s6 =	simm.s32 @!p2 $0x4080;
	[sflag:s1] =	ssyncset.done @!p4 $0x0  }
0x4b: {  	s8 =	simm.s32 @!p2 $0x0;
	[sflag:s1] =	ssyncadd.s32 @!p4 $0xFFFFC000;
	s1 =	sadd.s32 @!p2 $0xFFFFFFE0, s22  }
0x4c: {  	[tilespmem:s6], [sflag:$0x3] =	stream.linear.gather @!p2 [hbm4b:s1+s8], $0x80, $0x38;
	[tilespmem:$0x1FA00] =	vst v63  }
0x4d: {  	s10 =	simm.s32 @!p0 $0x3;
	s1 =	sadd.s32 @!p2 $0xFFFFF800, s31;
	s6 =	simm.s32 @!p2 $0x4100  }
0x4e: {  	[tilespmem:s6], [sflag:$0x3] =	stream.linear.gather @!p2 [hbm4b:s1+s8], $0x4000, $0x38;
	[tilespmem:$0x1FA00] =	vst v63  }
0x4f: {  	_ =	swait.ge @!p0 [sflag:s10], $0x80  }
0x50: {  	p1 =	por p3, p0;
	[sflag:s10] =	ssyncset.done @!p0 $0x0  }
0x51: {  	p2 =	seq.s32 @!p1 s24, $0x0;
	[sflag:s10] =	ssyncadd.s32 @!p0 $0xFFFFFF80  }
0x52: {  	s1 =	simm.s32 @!p0 $0x4100;
	p2 =	por @!p0 p2, p3;
	_ =	swait.ge @!p0 [sflag:s10], $0x4000  }
0x53: {  	s6 =	simm.s32 @!p0 $0x4080;
	p2 =	por p2, p0;
	[sflag:s10] =	ssyncset.done @!p0 $0x0  }
0x54: {  	s8 =	simm.s32 @!p0 $0x80;
	[sflag:s10] =	ssyncadd.s32 @!p0 $0xFFFFC000;
	s10 =	simm.s32 @!p2 $0x6  }
0x55: {  	[spmem:s2] =	stream.indirect.scatter.add.f32 @!p0 [tilespmem:s1], [sflag:$0x4], $0x80, s6, s8, $0xb8;
	[tilespmem:$0x1FA00] =	vst v63  }
0x56: {  	s0 =	sadd.s32 $0x2, s18;
	_ =	swait.ge @!p2 [sflag:s10], $0x4000  }
0x57: {  	p0 =	sge.u32 s0, s4;
	s0 =	simm.s32 @!p1 $0x8100;
	[sflag:s10] =	ssyncset.done @!p2 $0x0  }
0x58: {  	s1 =	simm.s32 @!p1 $0x0;
	s6 =	sadd.s32 @!p1 $0xFFFFFFF0, s22;
	[sflag:s10] =	ssyncadd.s32 @!p2 $0xFFFFC000  }
0x59: {  	[tilespmem:s0], [sflag:$0x5] =	stream.linear.gather @!p1 [hbm4b:s6+s1], $0x80, $0x38;
	[tilespmem:$0x1FA00] =	vst v63  }
0x5a: {  	s0 =	simm.s32 @!p1 $0x8180;
	s6 =	simm.s32 @!p0 $0x5  }
0x5b: {  	[tilespmem:s0], [sflag:$0x5] =	stream.linear.gather @!p1 [hbm4b:s31+s1], $0x4000, $0x38;
	[tilespmem:$0x1FA00] =	vst v63  }
0x5c: {  	_ =	swait.ge @!p0 [sflag:s6], $0x80  }
0x5d: {  	s0 =	sadd.s32 @!p0 s24, s19;
	[sflag:s6] =	ssyncset.done @!p0 $0x0  }
0x5e: {  	s0 =	sadd.s32 @!p0 $0x3, s0;
	[sflag:s6] =	ssyncadd.s32 @!p0 $0xFFFFFF80  }
0x5f: {  	s8 =	simm.s32 @!p0 $0x80;
	p1 =	sge.u32 @!p0 s0, s4;
	_ =	swait.ge @!p0 [sflag:s6], $0x4000  }
0x60: {  	s1 =	simm.s32 @!p0 $0x8180;
	p1 =	por p1, p0;
	[sflag:s6] =	ssyncset.done @!p0 $0x0  }
0x61: {  	s0 =	simm.s32 @!p0 $0x8100;
	[sflag:s6] =	ssyncadd.s32 @!p0 $0xFFFFC000;
	s6 =	simm.s32 @!p1 $0x2  }
0x62: {  	[spmem:s2] =	stream.indirect.scatter.add.f32 @!p0 [tilespmem:s1], [sflag:$0x6], $0x80, s0, s8, $0xb8;
	[tilespmem:$0x1FA00] =	vst v63  }
0x63: {  	_ =	swait.ge @!p1 [sflag:s6], $0x4000  }
0x64: {  	[sflag:s6] =	ssyncset.done @!p1 $0x0  }
0x65: {  	s0 =	simm.s32 @!p1 $0x0;
	[sflag:s6] =	ssyncadd.s32 @!p1 $0xFFFFC000  }
0x66: {  	[tilespmem:s0], [sflag:$0x1] =	stream.linear.gather @!p1 [hbm4b:s22+s0], $0x80, $0x38;
	[tilespmem:$0x1FA00] =	vst v63  }
0x67: {  	s1 =	simm.s32 @!p1 $0x80;
	s6 =	sadd.s32 @!p1 $0x800, s31  }
0x68: {  	[tilespmem:s1], [sflag:$0x1] =	stream.linear.gather @!p1 [hbm4b:s6+s0], $0x4000, $0x38;
	[tilespmem:$0x1FA00] =	vst v63  }
.LBB2_11:
0x69: {  	_ =	swait.ge [sflag:s25], $0x4000  }
0x6a: {  	[sflag:s25] =	ssyncset.done $0x0  }
0x6b: {  	[sflag:s25] =	ssyncadd.s32 $0xFFFFC000  }
0x6c: {  	_ =	swait.ge [sflag:s26], $0x4000  }
0x6d: {  	[sflag:s26] =	ssyncset.done $0x0  }
0x6e: {  	[sflag:s26] =	ssyncadd.s32 $0xFFFFC000  }
0x6f: {  	_ =	swait.ge [sflag:s28], $0x4000  }
0x70: {  	[sflag:s28] =	ssyncset.done $0x0  }
0x71: {  	[sflag:s28] =	ssyncadd.s32 $0xFFFFC000  }
0x72: {  	s0 =	sshrl.u32 @p6 s9, $0x3;
	s1 =	simm.s32 @p6 $0x1FC7;
	[bflag:$0x0] =	sbarrier.arrive $0xFFFF  }
0x73: {  	[hbm:s20], [sflag:s1] =	dma.local @p6 [spmem:s0], $0x2800  }
0x74: {  	s3 =	sadd.s32 $0x1, s3;
	s0 =	stileid.u32  }
0x75: {  	p0 =	sne.s32 s3, s21;
	_ =	swait.ge @p6 [sflag:s29], $0x2800;
	s0 =	sshll.u32 @!p6 s0, $0x6  }
0x76: {  	s1 =	sshrl.u32 @!p6 s5, $0x3;
	[sflag:s29] =	ssyncset.done @p6 $0x0;
	s0 =	sor.u32 @!p6 $0x1C07, s0  }
.Ltmp1:
0x77: {  	s6 =	rddreg [dreg:$0x10];
	[sflag:s29] =	ssyncadd.s32 @p6 $0xFFFFD800;
	(pc) =	sbr.rel @!p0 .LBB2_12-.Ltmp1, $4  }
0x78: {  	[hbm:s6], [sflag:s0] =	dma.local @!p6 [spmem:s1], $0x2700  }
0x79: {  	_ =	swait.ge @!p6 [sflag:s30], $0x2700  }
0x7a: {  	[sflag:s30] =	ssyncset.done @!p6 $0x0  }
0x7b: {  	[sflag:s30] =	ssyncadd.s32 @!p6 $0xFFFFD900  }
.LBB2_1:
0x7c: {  	s0 =	simm.s32 $0x0;
	s1 =	simm.s32 $0x200  }
.LBB2_2:
0x7d: {  	p0 =	sne.s32 s1, $0xFE00;
	[tilespmem:s0+$0xF0] =	vst v0  }
0x7e: {  	[tilespmem:s0+$0x80] =	vst v0  }
0x7f: {  	[tilespmem:s0+$0x90] =	vst v0  }
.Ltmp2:
0x80: {  	[tilespmem:s0+$0xA0] =	vst v0;
	(pc) =	sbr.rel @p0 .LBB2_2-.Ltmp2, $4  }
0x81: {  	[tilespmem:s0+$0xB0] =	vst v0  }
0x82: {  	[tilespmem:s0+$0xC0] =	vst v0  }
0x83: {  	[tilespmem:s0+$0xD0] =	vst v0  }
0x84: {  	[tilespmem:s0+$0xE0] =	vst v0;
	s0 =	sshra.s32 s1, $0x2;
	s1 =	sadd.s32 $0x200, s1  }
0x85: {  	[tilespmem:s0+$0xF0] =	vst v0  }
0x86: {  	[tilespmem:s0+$0x80] =	vst v0  }
0x87: {  	[tilespmem:s0+$0x90] =	vst v0  }
0x88: {  	[tilespmem:s0+$0xA0] =	vst v0  }
0x89: {  	[tilespmem:s0+$0xB0] =	vst v0  }
0x8a: {  	[tilespmem:s0+$0xC0] =	vst v0  }
0x8b: {  	[tilespmem:s0+$0xD0] =	vst v0  }
0x8c: {  	[tilespmem:s0+$0xE0] =	vst v0;
	s0 =	simm.s32 @p6 $0x80;
	s29 =	simm.s32 @p6 $0x7  }
0x8d: {  	[spmem:s9] =	stream.linear.scatter @p6 [tilespmem:s0], [sflag:$0x7], $0x4000, $0x38;
	[tilespmem:$0x1FA00] =	vst v63  }
0x8e: {  	_ =	swait.ge @p6 [sflag:s29], $0x4000  }
0x8f: {  	[sflag:s29] =	ssyncset.done @p6 $0x0  }
0x90: {  	s1 =	rddreg [dreg:$0x9];
	[sflag:s29] =	ssyncadd.s32 @p6 $0xFFFFC000  }
0x91: {  	[spmem:s1] =	stream.linear.scatter @p6 [tilespmem:s0], [sflag:$0x7], $0x4000, $0x38;
	[tilespmem:$0x1FA00] =	vst v63  }
0x92: {  	_ =	swait.ge @p6 [sflag:s29], $0x4000  }
0x93: {  	[sflag:s29] =	ssyncset.done @p6 $0x0  }
0x94: {  	s1 =	rddreg [dreg:$0xa];
	[sflag:s29] =	ssyncadd.s32 @p6 $0xFFFFC000  }
0x95: {  	[spmem:s1] =	stream.linear.scatter @p6 [tilespmem:s0], [sflag:$0x7], $0x4000, $0x38;
	[tilespmem:$0x1FA00] =	vst v63  }
0x96: {  	_ =	swait.ge @p6 [sflag:s29], $0x4000  }
0x97: {  	[sflag:s29] =	ssyncset.done @p6 $0x0  }
0x98: {  	s1 =	rddreg [dreg:$0xb];
	[sflag:s29] =	ssyncadd.s32 @p6 $0xFFFFC000  }
0x99: {  	[spmem:s1] =	stream.linear.scatter @p6 [tilespmem:s0], [sflag:$0x7], $0x4000, $0x38;
	[tilespmem:$0x1FA00] =	vst v63  }
0x9a: {  	_ =	swait.ge @p6 [sflag:s29], $0x4000  }
0x9b: {  	[sflag:s29] =	ssyncset.done @p6 $0x0  }
0x9c: {  	s1 =	rddreg [dreg:$0xc];
	[sflag:s29] =	ssyncadd.s32 @p6 $0xFFFFC000  }
0x9d: {  	[spmem:s1] =	stream.linear.scatter @p6 [tilespmem:s0], [sflag:$0x7], $0x4000, $0x38;
	[tilespmem:$0x1FA00] =	vst v63  }
0x9e: {  	_ =	swait.ge @p6 [sflag:s29], $0x4000  }
0x9f: {  	[sflag:s29] =	ssyncset.done @p6 $0x0  }
0xa0: {  	s30 =	simm.s32 @!p6 $0x7;
	s0 =	simm.s32 @!p6 $0x80;
	[sflag:s29] =	ssyncadd.s32 @p6 $0xFFFFC000  }
0xa1: {  	[spmem:s5] =	stream.linear.scatter @!p6 [tilespmem:s0], [sflag:$0x7], $0x4000, $0x38;
	[tilespmem:$0x1FA00] =	vst v63  }
0xa2: {  	_ =	swait.ge @!p6 [sflag:s30], $0x4000  }
0xa3: {  	[sflag:s30] =	ssyncset.done @!p6 $0x0  }
0xa4: {  	s1 =	rddreg [dreg:$0x5];
	[sflag:s30] =	ssyncadd.s32 @!p6 $0xFFFFC000  }
0xa5: {  	[spmem:s1] =	stream.linear.scatter @!p6 [tilespmem:s0], [sflag:$0x7], $0x4000, $0x38;
	[tilespmem:$0x1FA00] =	vst v63  }
0xa6: {  	_ =	swait.ge @!p6 [sflag:s30], $0x4000  }
0xa7: {  	[sflag:s30] =	ssyncset.done @!p6 $0x0  }
0xa8: {  	s1 =	rddreg [dreg:$0x6];
	[sflag:s30] =	ssyncadd.s32 @!p6 $0xFFFFC000  }
0xa9: {  	[spmem:s1] =	stream.linear.scatter @!p6 [tilespmem:s0], [sflag:$0x7], $0x4000, $0x38;
	[tilespmem:$0x1FA00] =	vst v63  }
0xaa: {  	_ =	swait.ge @!p6 [sflag:s30], $0x4000  }
0xab: {  	[sflag:s30] =	ssyncset.done @!p6 $0x0  }
0xac: {  	s1 =	rddreg [dreg:$0x7];
	[sflag:s30] =	ssyncadd.s32 @!p6 $0xFFFFC000  }
0xad: {  	[spmem:s1] =	stream.linear.scatter @!p6 [tilespmem:s0], [sflag:$0x7], $0x4000, $0x38;
	[tilespmem:$0x1FA00] =	vst v63  }
0xae: {  	_ =	swait.ge @!p6 [sflag:s30], $0x4000  }
0xaf: {  	[sflag:s30] =	ssyncset.done @!p6 $0x0  }
0xb0: {  	s1 =	rddreg [dreg:$0x8];
	[sflag:s30] =	ssyncadd.s32 @!p6 $0xFFFFC000  }
0xb1: {  	[spmem:s1] =	stream.linear.scatter @!p6 [tilespmem:s0], [sflag:$0x7], $0x3800, $0x38;
	[tilespmem:$0x1FA00] =	vst v63  }
0xb2: {  	_ =	swait.ge @!p6 [sflag:s30], $0x3800  }
0xb3: {  	[sflag:s30] =	ssyncset.done @!p6 $0x0  }
0xb4: {  	s0 =	simm.s32 $0x0;
	s23 =	rddreg [dreg:$0xe];
	[sflag:s30] =	ssyncadd.s32 @!p6 $0xFFFFC800  }
0xb5: {  	[tilespmem:s0], [sflag:$0x1] =	stream.linear.gather [hbm4b:s23+s0], $0x80, $0x38;
	[tilespmem:$0x1FA00] =	vst v63  }
0xb6: {  	s6 =	simm.s32 $0x80;
	s24 =	rddreg [dreg:$0xf]  }
0xb7: {  	[tilespmem:s6], [sflag:$0x1] =	stream.linear.gather [hbm4b:s24+s0], $0x4000, $0x38;
	[tilespmem:$0x1FA00] =	vst v63  }
0xb8: {  	[bflag:$0x0] =	sbarrier.arrive $0xFFFF  }
0xb9: {  	s31 =	sld [smem:$0x7FC];
	_ =	sdelay $0x2  }
0xba: {  	p0 =	seq.s32 s31, $0x1  }
.Ltmp3:
0xbb: {  	_ = 	snop;
	(pc) =	sbr.rel @p0 .LBB2_11-.Ltmp3, $1  }
0xbc: {  	_ =	sdelay $0x3  }
0xbd: {  	s1 =	rddreg [dreg:$0xd]  }
0xbe: {  	s1 =	sadd.s32 $0xFFFFFFFF, s1  }
0xbf: {  	p0 =	sne.s32 s1, $0x0  }
.Ltmp4:
0xc0: {  	_ = 	snop;
	(pc) =	sbr.rel @!p0 .LBB2_5-.Ltmp4, $1  }
0xc1: {  	_ =	sdelay $0x3  }
0xc2: {  	s6 =	sadd.s32 $0x0, s19  }
0xc3: {  	p1 =	sge.u32 s6, s4  }
0xc4: {  	s10 =	sadd.s32 $0x1, s6;
	s23 =	sadd.s32 $0x2, s6;
	s8 =	sadd.s32 @!p1 $0x0, s19  }
0xc5: {  	s6 =	sadd.s32 $0xFFFFFFFF, s1;
	s11 =	simm.s32 @!p1 $0x1;
	s8 =	sadd.s32 @!p1 $0x1, s8  }
0xc6: {  	p3 =	sge.u32 s10, s4;
	_ =	swait.ge @!p1 [sflag:s11], $0x80;
	p2 =	sge.u32 @!p1 s8, s4  }
0xc7: {  	s10 =	simm.s32 @!p1 $0x80;
	[sflag:s11] =	ssyncset.done @!p1 $0x0;
	p0 =	por p2, p1  }
0xc8: {  	s1 =	sadd.s32 @!p3 $0x0, s19;
	[sflag:s11] =	ssyncadd.s32 @!p1 $0xFFFFFF80;
	p4 =	por @!p0 $0x1, $0x1  }
0xc9: {  	s1 =	sadd.s32 @!p3 $0x2, s1;
	_ =	swait.ge @!p1 [sflag:s11], $0x4000;
	p2 =	por @!p1 p4, p2  }
0xca: {  	p5 =	sge.u32 @!p3 s1, s4;
	[sflag:s11] =	ssyncset.done @!p1 $0x0;
	p2 =	por p2, p1  }
0xcb: {  	s1 =	simm.s32 @!p1 $0x0;
	[sflag:s11] =	ssyncadd.s32 @!p1 $0xFFFFC000;
	s11 =	simm.s32 @!p2 $0x4  }
0xcc: {  	[spmem:s2] =	stream.indirect.scatter.add.f32 @!p1 [tilespmem:s10], [sflag:$0x2], $0x80, s1, s10, $0xb8;
	[tilespmem:$0x1FA00] =	vst v63  }
0xcd: {  	s24 =	simm.s32 $0x3;
	s31 =	sadd.s32 $0x1800, s15;
	_ =	swait.ge @!p2 [sflag:s11], $0x4000  }
0xce: {  	s12 =	simm.s32 @!p0 $0x0;
	p4 =	por p5, p3;
	[sflag:s11] =	ssyncset.done @!p2 $0x0  }
0xcf: {  	s1 =	simm.s32 @!p0 $0x4080;
	s10 =	sadd.s32 @!p0 $0xFFFFFFE0, s7;
	[sflag:s11] =	ssyncadd.s32 @!p2 $0xFFFFC000  }
0xd0: {  	[tilespmem:s1], [sflag:$0x3] =	stream.linear.gather @!p0 [hbm4b:s10+s12], $0x80, $0x38;
	[tilespmem:$0x1FA00] =	vst v63  }
0xd1: {  	p1 =	por @!p4 $0x1, $0x1;
	s11 =	simm.s32 @!p0 $0x4100;
	s1 =	sadd.s32 @!p0 $0xFFFFF800, s15  }
0xd2: {  	[tilespmem:s11], [sflag:$0x3] =	stream.linear.gather @!p0 [hbm4b:s1+s12], $0x4000, $0x38;
	[tilespmem:$0x1FA00] =	vst v63  }
0xd3: {  	s22 =	sadd.s32 $0x30, s7;
	p1 =	por @!p3 p1, p5;
	p0 =	sne.s32 s6, $0x0  }
.Ltmp5:
0xd4: {  	p5 =	sge.u32 s23, s4;
	s23 =	smov.u32 s15;
	(pc) =	sbr.rel @!p0 .LBB2_7-.Ltmp5, $4  }
0xd5: {  	p2 =	por p1, p3;
	p1 =	por $0x1, $0x1;
	s10 =	simm.s32 @!p3 $0x3  }
0xd6: {  	s11 =	simm.s32 @!p3 $0x4100;
	s1 =	simm.s32 @!p1 $0x0;
	_ =	swait.ge @!p3 [sflag:s10], $0x80  }
0xd7: {  	s12 =	simm.s32 @!p3 $0x4080;
	s1 =	simm.s32 @p1 $0x1;
	[sflag:s10] =	ssyncset.done @!p3 $0x0  }
0xd8: {  	[smem:$0x7FB] =	sst s1;
	s1 =	smov.u32 s7;
	[sflag:s10] =	ssyncadd.s32 @!p3 $0xFFFFFF80  }
.LBB2_8:
0xd9: {  	s8 =	sadd.s32 s24, s19;
	_ =	swait.ge @!p3 [sflag:s10], $0x4000  }
0xda: {  	s0 =	sadd.s32 @!p5 s0, s19;
	s16 =	simm.s32 @!p2 $0x6;
	s17 =	simm.s32 @!p4 $0x8100  }
0xdb: {  	s6 =	sadd.s32 $0xFFFFFFFF, s6;
	[sflag:s10] =	ssyncset.done @!p3 $0x0;
	p1 =	sge.u32 s8, s4  }
0xdc: {  	[sflag:s10] =	ssyncadd.s32 @!p3 $0xFFFFC000;
	s10 =	simm.s32 @!p3 $0x80;
	s14 =	sadd.s32 @!p1 s24, s19  }
0xdd: {  	[spmem:s2] =	stream.indirect.scatter.add.f32 @!p3 [tilespmem:s11], [sflag:$0x4], $0x80, s12, s10, $0xb8;
	[tilespmem:$0x1FA00] =	vst v63  }
0xde: {  	s0 =	sadd.s32 @!p5 $0x3, s0;
	s10 =	sadd.s32 @!p1 $0x1, s14;
	_ =	swait.ge @!p2 [sflag:s16], $0x4000  }
0xdf: {  	s11 =	simm.s32 @!p4 $0x0;
	p6 =	sge.u32 @!p1 s10, s4;
	[sflag:s16] =	ssyncset.done @!p2 $0x0  }
0xe0: {  	s10 =	sadd.s32 @!p4 $0xFFFFFFF0, s1;
	[sflag:s16] =	ssyncadd.s32 @!p2 $0xFFFFC000;
	p2 =	sne.s32 s6, $0x0  }
0xe1: {  	[tilespmem:s17], [sflag:$0x5] =	stream.linear.gather @!p4 [hbm4b:s10+s11], $0x80, $0x38;
	[tilespmem:$0x1FA00] =	vst v63  }
0xe2: {  	p0 =	sge.u32 @!p5 s0, s4;
	s0 =	simm.s32 @!p2 $0x0  }
0xe3: {  	s12 =	simm.s32 @!p4 $0x8180;
	s0 =	simm.s32 @p2 $0x1  }
0xe4: {  	[tilespmem:s12], [sflag:$0x5] =	stream.linear.gather @!p4 [hbm4b:s23+s11], $0x4000, $0x38;
	[tilespmem:$0x1FA00] =	vst v63  }
0xe5: {  	s10 =	simm.s32 @!p5 $0x5;
	[smem:$0x7FA] =	sst s0  }
0xe6: {  	_ =	swait.ge @!p5 [sflag:s10], $0x80  }
0xe7: {  	[sflag:s10] =	ssyncset.done @!p5 $0x0  }
0xe8: {  	[sflag:s10] =	ssyncadd.s32 @!p5 $0xFFFFFF80  }
0xe9: {  	s14 =	simm.s32 @!p5 $0x8100;
	_ =	swait.ge @!p5 [sflag:s10], $0x4000  }
0xea: {  	s16 =	simm.s32 @!p5 $0x8180;
	p4 =	por p0, p5;
	[sflag:s10] =	ssyncset.done @!p5 $0x0  }
0xeb: {  	s17 =	simm.s32 @!p5 $0x80;
	[sflag:s10] =	ssyncadd.s32 @!p5 $0xFFFFC000;
	s10 =	simm.s32 @!p4 $0x2  }
0xec: {  	[spmem:s2] =	stream.indirect.scatter.add.f32 @!p5 [tilespmem:s16], [sflag:$0x6], $0x80, s14, s17, $0xb8;
	[tilespmem:$0x1FA00] =	vst v63  }
0xed: {  	_ =	swait.ge @!p4 [sflag:s10], $0x4000  }
0xee: {  	[sflag:s10] =	ssyncset.done @!p4 $0x0  }
0xef: {  	s18 =	simm.s32 @!p4 $0x0;
	[sflag:s10] =	ssyncadd.s32 @!p4 $0xFFFFC000  }
0xf0: {  	[tilespmem:s18], [sflag:$0x1] =	stream.linear.gather @!p4 [hbm4b:s1+s18], $0x80, $0x38;
	[tilespmem:$0x1FA00] =	vst v63  }
0xf1: {  	s11 =	simm.s32 @!p1 $0x1;
	s12 =	simm.s32 @!p4 $0x80;
	s1 =	sadd.s32 @!p4 $0x800, s23  }
0xf2: {  	[tilespmem:s12], [sflag:$0x1] =	stream.linear.gather @!p4 [hbm4b:s1+s18], $0x4000, $0x38;
	[tilespmem:$0x1FA00] =	vst v63  }
0xf3: {  	_ =	swait.ge @!p1 [sflag:s11], $0x80  }
0xf4: {  	s13 =	sadd.s32 $0x1, s8;
	p0 =	por p6, p1;
	[sflag:s11] =	ssyncset.done @!p1 $0x0  }
0xf5: {  	p3 =	sge.u32 s13, s4;
	p2 =	seq.s32 @!p0 s24, $0x0;
	[sflag:s11] =	ssyncadd.s32 @!p1 $0xFFFFFF80  }
0xf6: {  	s13 =	sadd.s32 @!p3 s24, s19;
	p2 =	por @!p1 p2, p6;
	_ =	swait.ge @!p1 [sflag:s11], $0x4000  }
0xf7: {  	p2 =	por p2, p1;
	s10 =	simm.s32 @!p1 $0x0;
	[sflag:s11] =	ssyncset.done @!p1 $0x0  }
0xf8: {  	s12 =	simm.s32 @!p1 $0x80;
	[sflag:s11] =	ssyncadd.s32 @!p1 $0xFFFFC000;
	s11 =	simm.s32 @!p2 $0x4  }
0xf9: {  	[spmem:s2] =	stream.indirect.scatter.add.f32 @!p1 [tilespmem:s12], [sflag:$0x2], $0x80, s10, s12, $0xb8;
	[tilespmem:$0x1FA00] =	vst v63  }
0xfa: {  	s13 =	sadd.s32 @!p3 $0x2, s13;
	_ =	swait.ge @!p2 [sflag:s11], $0x4000  }
0xfb: {  	p5 =	sge.u32 @!p3 s13, s4;
	s10 =	simm.s32 @!p0 $0x4080;
	[sflag:s11] =	ssyncset.done @!p2 $0x0  }
0xfc: {  	s12 =	simm.s32 @!p0 $0x0;
	[sflag:s11] =	ssyncadd.s32 @!p2 $0xFFFFC000;
	s11 =	sadd.s32 @!p0 $0xFFFFFFE0, s22  }
0xfd: {  	[tilespmem:s10], [sflag:$0x3] =	stream.linear.gather @!p0 [hbm4b:s11+s12], $0x80, $0x38;
	[tilespmem:$0x1FA00] =	vst v63  }
0xfe: {  	s13 =	simm.s32 @!p0 $0x4100;
	s11 =	sadd.s32 @!p0 $0xFFFFF800, s31;
	s10 =	simm.s32 @!p3 $0x3  }
0xff: {  	[tilespmem:s13], [sflag:$0x3] =	stream.linear.gather @!p0 [hbm4b:s11+s12], $0x4000, $0x38;
	[tilespmem:$0x1FA00] =	vst v63  }
0x100: {  	_ =	swait.ge @!p3 [sflag:s10], $0x80  }
0x101: {  	s18 =	sld [smem:$0x7FA];
	_ =	sdelay $0x2  }
0x102: {  	s8 =	sadd.s32 $0x2, s8;
	p4 =	por p5, p3;
	p0 =	seq.s32 s18, $0x1  }
.Ltmp6:
0x103: {  	s0 =	smov.u32 s24;
	p1 =	seq.s32 @!p4 s24, $0x0;
	(pc) =	sbr.rel @p0 .LBB2_8-.Ltmp6, $4  }
0x104: {  	s23 =	smov.u32 s31;
	s1 =	smov.u32 s22;
	p1 =	por @!p3 p1, p5  }
0x105: {  	s24 =	sadd.s32 $0x3, s24;
	p5 =	sge.u32 s8, s4;
	p2 =	por p1, p3  }
0x106: {  	s22 =	sadd.s32 $0x30, s22;
	s31 =	sadd.s32 $0x1800, s31;
	[sflag:s10] =	ssyncset.done @!p3 $0x0  }
0x107: {  	s11 =	simm.s32 @!p3 $0x4100;
	s12 =	simm.s32 @!p3 $0x4080;
	[sflag:s10] =	ssyncadd.s32 @!p3 $0xFFFFFF80  }
.Ltmp7:
0x108: {  	(pc) =	sbr.rel .LBB2_10-.Ltmp7, $2  }
0x109: {  	s6 =	sld [smem:$0x7FD];
	_ =	sdelay $0x2  }
0x10a: {  	p6 =	seq.s32 s6, $0x1  }
.LBB2_7:
.Ltmp8:
0x10b: {  	(pc) =	sbr.rel .LBB2_10-.Ltmp8, $2  }
0x10c: {  	s6 =	sld [smem:$0x7FD];
	_ =	sdelay $0x2  }
0x10d: {  	s1 =	smov.u32 s7;
	s23 =	smov.u32 s15;
	p6 =	seq.s32 s6, $0x1  }
.LBB2_12:
0x10e: {  	_ =	sfence.sel $0x180000  }
0x10f: {  	[bflag:$0x0] =	sbarrier.arrive $0xFFFF  }
0x110: {  	_ =	strace $0x90000047  }
0x111: {  	s0 =	stileid.u32;
	[bflag:$0x2] =	sbarrier.arrive $0xFFFF  }
0x112: {  	p0 =	sne.s32 s0, $0x0;
	s0 =	rddreg [dreg:$0x4]  }
0x113: {  	s0 =	sadd.s32 @!p0 $0x100000, s0  }
0x114: {  	[sflag:s0] =	ssyncadd.tile.s32 @!p0 $0x1;
	_ =	shalt  }
.Lfunc_end2:
_tile_overlayer_lowered:
.L_overlay_start_2:
0x115: {  	(tag) =	ssettag $0x2  }
0x116: {  	s0 =	rddreg [dreg:$0x0];
	s2 =	stileid.u32  }
0x117: {  	s1 =	rddreg [dreg:$0x1];
	p0 =	sne.s32 s2, $0x0  }
0x118: {  	s3 =	rddreg [dreg:$0x2];
	[bflag:$0x3] =	sbarrier.arrive $0xFFFF;
	s2 =	simm.s32 @!p0 $0x1C07  }
0x119: {  	[timem:s3], [sflag:s2] =	dma.local @!p0 [hbm:s0], s1  }
0x11a: {  	s0 =	simm.s32 @!p0 $0x7  }
0x11b: {  	_ =	swait.ge @!p0 [sflag:s0], s1  }
0x11c: {  	s1 =	ssub.s32 @!p0 $0x0, s1;
	[sflag:s0] =	ssyncset.done @!p0 $0x0  }
0x11d: {  	[sflag:s0] =	ssyncadd.s32 @!p0 s1  }
0x11e: {  	[bflag:$0x3] =	sbarrier.arrive $0xFFFF  }
0x11f: {  	_ =	shalt  }

</sc_bundles>
